<compile_context>
chip_gen: v7x
topology: tpu7x:2x2x1
jax: 0.10.2.dev20260603
libtpu: 0.0.44.dev20260713+nightly
codegen_flags: <defaults>
</compile_context>

<pallas_src>
import functools

import jax
import jax.numpy as jnp
from jax import lax
from jax.experimental import pallas as pl
from jax.experimental.pallas import tpu as pltpu
from jax.experimental.pallas import tpu_sc as plsc

SEQ = 50
VOCAB = 1000
LANES = 16
NWORKERS = 32
FULL_CHUNKS = VOCAB // LANES
TAIL = VOCAB - LANES
TAIL_REAL = LANES - VOCAB % LANES

S_STRIDE = 1024 * VOCAB
VT_STRIDE = 8 * 1024
VS_STRIDE = 128
CHUNK_STRIDE = 2 * VT_STRIDE

OUT_PAD_SEQ = 56
OUT_PAD_VOCAB = 1024
OUT_WORDS = OUT_PAD_SEQ * OUT_PAD_VOCAB


def _log_lanes(x):
    bits = lax.bitcast_convert_type(x, jnp.int32)
    e = (bits >> 23) - 126
    m = lax.bitcast_convert_type(
        (bits & 0x007FFFFF) | 0x3F000000, jnp.float32)
    small = m < 0.70710678
    ef = jnp.where(small, e - 1, e).astype(jnp.float32)
    m = jnp.where(small, m + m, m)
    t = m - 1.0
    z = t * t
    p = jnp.full((LANES,), 0.12483959, jnp.float32)
    for c in (-0.1803054, 0.20199902, -0.24970133, 0.33331482):
        p = p * t + c
    y = t * z * p
    y = y + ef * (-2.12194440e-4)
    y = y - 0.5 * z
    return (t + y) + ef * 0.693359375


def _allreduce_lanes(v, op):
    lane = lax.iota(jnp.int32, LANES)
    for sh in (1, 2, 4, 8):
        v = op(v, v.at[lane ^ sh].get(mode="promise_in_bounds"))
    return v


def _log_softmax_row(rows_v, off):
    def sm(i, s):
        return s + jnp.exp(rows_v[pl.ds(off + i * LANES, LANES)])
    s = lax.fori_loop(0, FULL_CHUNKS, sm,
                      jnp.zeros((LANES,), jnp.float32), unroll=4)
    tail = jnp.exp(rows_v[pl.ds(off + TAIL, LANES)])
    lane = lax.iota(jnp.int32, LANES)
    s = s + jnp.where(lane >= TAIL_REAL, tail, 0.0)
    lsev = _log_lanes(_allreduce_lanes(s, jnp.add))

    def st(i, carry):
        rows_v[pl.ds(off + i * LANES, LANES)] = (
            rows_v[pl.ds(off + i * LANES, LANES)] - lsev)
        return carry
    lax.fori_loop(0, FULL_CHUNKS, st, 0, unroll=4)
    rows_v[pl.ds(off + TAIL, LANES)] = (
        rows_v[pl.ds(off + TAIL, LANES)]
        - jnp.where(lane >= TAIL_REAL, lsev, 0.0))


@functools.partial(
    pl.kernel,
    mesh=plsc.VectorSubcoreMesh(core_axis_name="c", subcore_axis_name="s"),
    out_type=jax.ShapeDtypeStruct((OUT_WORDS,), jnp.float32),
    scratch_types=[
        pltpu.VMEM((LANES,), jnp.int32),
        pltpu.VMEM((2 * VOCAB,), jnp.int32),
        pltpu.VMEM((2 * VOCAB,), jnp.float32),
        pltpu.SemaphoreType.DMA,
        pltpu.SemaphoreType.DMA,
        pltpu.SemaphoreType.DMA,
    ],
)
def _sc_gather_log_softmax(table_hbm, base_hbm, out_hbm,
                           base_v, idx_v, rows_v, sem0, sem1, osem):
    wid = lax.axis_index("s") * 2 + lax.axis_index("c")
    pltpu.sync_copy(base_hbm, base_v)
    lane = lax.iota(jnp.int32, LANES)
    lanepat = jnp.where(lane >= 8, VT_STRIDE, 0) + (lane & 7) * VS_STRIDE
    ev = base_v[...]
    start = ((ev >> 7) << 10) + (ev & 127) + lanepat

    row0 = wid
    row1 = jnp.where(wid + NWORKERS < SEQ, wid + NWORKERS, wid)

    def stage_row(j, s_row):
        first = start + s_row * S_STRIDE

        def stage(c, cur):
            idx_v[pl.ds(j * VOCAB + c * LANES, LANES)] = cur
            return cur + CHUNK_STRIDE
        lax.fori_loop(0, FULL_CHUNKS, stage, first, unroll=2)
        idx_v[pl.ds(j * VOCAB + TAIL, LANES)] = (
            first + (TAIL // 8) * VT_STRIDE)

    def fire_gathers(j, sem):
        cps = []
        for t in range(8):
            n = 128 if t < 7 else VOCAB - 7 * 128
            lo = j * VOCAB + t * 128
            cps.append(pltpu.async_copy(
                table_hbm.at[idx_v.at[pl.ds(lo, n)]],
                rows_v.at[pl.ds(lo, n)], sem))
        return cps

    def fire_stores(j, s_row):
        obase = (s_row >> 3) * 8192 + (s_row & 7) * 128
        cps = []
        for t in range(8):
            n = 128 if t < 7 else VOCAB - 7 * 128
            cps.append(pltpu.async_copy(
                rows_v.at[pl.ds(j * VOCAB + t * 128, n)],
                out_hbm.at[pl.ds(obase + t * 1024, n)], osem))
        return cps

    stage_row(0, row0)
    g0 = fire_gathers(0, sem0)
    stage_row(1, row1)
    g1 = fire_gathers(1, sem1)
    for cp in g0:
        cp.wait()
    _log_softmax_row(rows_v, 0)
    s0 = fire_stores(0, row0)
    for cp in g1:
        cp.wait()
    _log_softmax_row(rows_v, VOCAB)

    @pl.when(wid + NWORKERS < SEQ)
    def _():
        for cp in fire_stores(1, row1):
            cp.wait()

    for cp in s0:
        cp.wait()


def kernel(weights, example_idx):
    n, seq, vocab = weights.shape
    flat = (weights.transpose(1, 2, 0)
            .reshape(seq, vocab // 8, 8, n // 128, 128)
            .transpose(0, 1, 3, 2, 4)
            .reshape(n * seq * vocab))
    base_arr = jnp.full((LANES,), jnp.asarray(example_idx, jnp.int32))
    out = _sc_gather_log_softmax(flat, base_arr)
    return (out.reshape(OUT_PAD_SEQ // 8, 8, 8, 128)
            .transpose(0, 2, 1, 3)
            .reshape(OUT_PAD_SEQ, OUT_PAD_VOCAB)[:seq, :vocab])

# --- scband reference (transcript-rebuilt; emitter-appended) ---
"""Pipeline reference for scband-memorization-model-13202729468563 (READ-ONLY COPY).

The authoritative reference and input builder live on the scoring server;
editing this copy changes nothing except your own understanding.
"""

import jax, jax.numpy as jnp
import numpy as np

NUM_EXAMPLES = 1024
SEQ_LEN = 50
VOCAB_SIZE = 1000

def setup_inputs(seed: int = 0) -> dict:
    key = jax.random.key(seed)
    kw, _ = jax.random.split(key)
    weights = jax.random.normal(kw, (NUM_EXAMPLES, SEQ_LEN, VOCAB_SIZE), dtype=jnp.float32)
    example_idx = 512
    return {"weights": weights, "example_idx": example_idx}

def reference(weights, example_idx):
    # gather one example's [seq_len, vocab] logit table, then log_softmax over vocab
    w = jnp.take(weights, example_idx, axis=0)
    log_probs = jax.nn.log_softmax(w, axis=-1)
    return log_probs

if __name__ == "__main__":
    import jax
    _d = setup_inputs()
    print(jax.jit(kernel)(*tuple(_d.values())))

</pallas_src>

<mosaic_0001>
#map = affine_map<(d0, d1) -> (0)>
module attributes {stable_mosaic.version = 14 : i64} {
  func.func @_sc_gather_log_softmax(%arg0: i32, %arg1: i32, %arg2: memref<51200000xf32, #tpu.memory_space<hbm>>, %arg3: memref<16xi32, #tpu.memory_space<hbm>>, %arg4: memref<57344xf32, #tpu.memory_space<hbm>>, %arg5: memref<16xi32, #tpu.memory_space<vmem>>, %arg6: memref<2000xi32, #tpu.memory_space<vmem>>, %arg7: memref<2000xf32, #tpu.memory_space<vmem>>, %arg8: memref<!tpu.dma_semaphore, #tpu.memory_space<semaphore_mem>>, %arg9: memref<!tpu.dma_semaphore, #tpu.memory_space<semaphore_mem>>, %arg10: memref<!tpu.dma_semaphore, #tpu.memory_space<semaphore_mem>>) attributes {dimension_semantics = [#tpu.dimension_semantics<core_parallel>, #tpu.dimension_semantics<subcore_parallel>], iteration_bounds = array<i64: 2, 16>, scalar_prefetch = 0 : i64, scratch_operands = 6 : i64, tpu.core_type = #tpu.core_type<sc_vector_subcore>, window_params = [{transform_indices = #map}, {transform_indices = #map}, {transform_indices = #map}]} {
    %mul3A = arith.constant 2 : i32
    %mul3A_0 = arith.muli %arg1, %mul3A : i32
    %add3A = arith.addi %mul3A_0, %arg0 : i32
    "tpu.region"() ({
      %run_scoped3A = tpu.sem_alloc : memref<!tpu.dma_semaphore, #tpu.memory_space<semaphore_mem>>
      tpu.enqueue_dma source(%arg3 : memref<16xi32, #tpu.memory_space<hbm>>) target(%arg5 : memref<16xi32, #tpu.memory_space<vmem>>) target_semaphore(%run_scoped3A : memref<!tpu.dma_semaphore, #tpu.memory_space<semaphore_mem>>)
      tpu.wait_dma2 semaphore(%run_scoped3A : memref<!tpu.dma_semaphore, #tpu.memory_space<semaphore_mem>>) src(%arg3 : memref<16xi32, #tpu.memory_space<hbm>>) dst(%arg5 : memref<16xi32, #tpu.memory_space<vmem>>)
      tpu.yield
    }) : () -> ()
    %iota3A = tpu.iota {dimensions = array<i32: 0>} : vector<16xi32>
    %ge3A = arith.constant 8 : i32
    %ge3A_1 = vector.broadcast %ge3A : i32 to vector<16xi32>
    %ge3A_2 = arith.cmpi sge, %iota3A, %ge3A_1 : vector<16xi32>
    %jit3A = arith.constant 8192 : i32
    %jit3A_3 = arith.constant 0 : i32
    %broadcast_in_dim3A = vector.broadcast %jit3A : i32 to vector<16xi32>
    %broadcast_in_dim3A_4 = vector.broadcast %jit3A_3 : i32 to vector<16xi32>
    %select_n3A = arith.select %ge3A_2, %broadcast_in_dim3A, %broadcast_in_dim3A_4 : vector<16xi1>, vector<16xi32>
    %and3A = arith.constant 7 : i32
    %and3A_5 = vector.broadcast %and3A : i32 to vector<16xi32>
    %and3A_6 = arith.andi %iota3A, %and3A_5 : vector<16xi32>
    %mul3A_7 = arith.constant 128 : i32
    %mul3A_8 = vector.broadcast %mul3A_7 : i32 to vector<16xi32>
    %mul3A_9 = arith.muli %and3A_6, %mul3A_8 : vector<16xi32>
    %add3A_10 = arith.addi %select_n3A, %mul3A_9 : vector<16xi32>
    %get3A = arith.constant 0 : index
    %get3A_11 = tpu.vector_load %arg5[%get3A] {strides = array<i32>} : memref<16xi32, #tpu.memory_space<vmem>>, vector<16xi32>,
    %get3A_12 = vector.shape_cast %get3A_11 : vector<16xi32> to vector<16xi32>
    %shift_right_arithmetic3A = arith.constant 7 : i32
    %shift_right_arithmetic3A_13 = vector.broadcast %shift_right_arithmetic3A : i32 to vector<16xi32>
    %shift_right_arithmetic3A_14 = arith.shrsi %get3A_12, %shift_right_arithmetic3A_13 : vector<16xi32>
    %shift_left3A = arith.constant 10 : i32
    %shift_left3A_15 = vector.broadcast %shift_left3A : i32 to vector<16xi32>
    %shift_left3A_16 = arith.shli %shift_right_arithmetic3A_14, %shift_left3A_15 : vector<16xi32>
    %and3A_17 = arith.constant 127 : i32
    %and3A_18 = vector.broadcast %and3A_17 : i32 to vector<16xi32>
    %and3A_19 = arith.andi %get3A_12, %and3A_18 : vector<16xi32>
    %add3A_20 = arith.addi %shift_left3A_16, %and3A_19 : vector<16xi32>
    %add3A_21 = arith.addi %add3A_20, %add3A_10 : vector<16xi32>
    %add3A_22 = arith.constant 32 : i32
    %add3A_23 = arith.addi %add3A, %add3A_22 : i32
    %lt3A = arith.constant 50 : i32
    %lt3A_24 = arith.cmpi slt, %add3A_23, %lt3A : i32
    %add3A_25 = arith.constant 32 : i32
    %add3A_26 = arith.addi %add3A, %add3A_25 : i32
    %select_n3A_27 = arith.select %lt3A_24, %add3A_26, %add3A : i32
    %mul3A_28 = arith.constant 1024000 : i32
    %mul3A_29 = arith.muli %add3A, %mul3A_28 : i32
    %add3A_30 = vector.broadcast %mul3A_29 : i32 to vector<16xi32>
    %add3A_31 = arith.addi %add3A_21, %add3A_30 : vector<16xi32>
    %scan3A = arith.constant 0 : i32
    %scan3A_32 = arith.constant 62 : i32
    %scan3A_33 = arith.addi %scan3A, %scan3A_32 : i32
    %scan3A_34 = arith.constant 2 : i32
    %scan3A_35 = scf.for %scan3A_802 = %scan3A to %scan3A_33 step %scan3A_34 iter_args(%scan3A_803 = %add3A_31) -> (vector<16xi32>)  : i32 {
      %mul3A_804 = arith.constant 16 : i32
      %mul3A_805 = arith.muli %scan3A_802, %mul3A_804 : i32
      %add3A_806 = arith.constant 0 : i32
      %add3A_807 = arith.addi %add3A_806, %mul3A_805 : i32
      %swap3A_808 = arith.index_cast %add3A_807 : i32 to index
      %swap3A_809 = tpu.vector_load %arg6[%swap3A_808] {strides = array<i32>} : memref<2000xi32, #tpu.memory_space<vmem>>, vector<16xi32>,
      %swap3A_810 = vector.shape_cast %swap3A_809 : vector<16xi32> to vector<16xi32>
      %swap3A_811 = vector.shape_cast %scan3A_803 : vector<16xi32> to vector<16xi32>
      tpu.vector_store %arg6[%swap3A_808], %swap3A_811 {strides = array<i32>} : memref<2000xi32, #tpu.memory_space<vmem>>, vector<16xi32>,
      %add3A_812 = arith.constant 16384 : i32
      %add3A_813 = vector.broadcast %add3A_812 : i32 to vector<16xi32>
      %add3A_814 = arith.addi %scan3A_803, %add3A_813 : vector<16xi32>
      %scan3A_815 = arith.constant 1 : i32
      %scan3A_816 = arith.addi %scan3A_802, %scan3A_815 : i32
      %mul3A_817 = arith.constant 16 : i32
      %mul3A_818 = arith.muli %scan3A_816, %mul3A_817 : i32
      %add3A_819 = arith.constant 0 : i32
      %add3A_820 = arith.addi %add3A_819, %mul3A_818 : i32
      %swap3A_821 = arith.index_cast %add3A_820 : i32 to index
      %swap3A_822 = tpu.vector_load %arg6[%swap3A_821] {strides = array<i32>} : memref<2000xi32, #tpu.memory_space<vmem>>, vector<16xi32>,
      %swap3A_823 = vector.shape_cast %swap3A_822 : vector<16xi32> to vector<16xi32>
      %swap3A_824 = vector.shape_cast %add3A_814 : vector<16xi32> to vector<16xi32>
      tpu.vector_store %arg6[%swap3A_821], %swap3A_824 {strides = array<i32>} : memref<2000xi32, #tpu.memory_space<vmem>>, vector<16xi32>,
      %add3A_825 = arith.constant 16384 : i32
      %add3A_826 = vector.broadcast %add3A_825 : i32 to vector<16xi32>
      %add3A_827 = arith.addi %add3A_814, %add3A_826 : vector<16xi32>
      scf.yield %add3A_827 : vector<16xi32>
    }
    %scan3A_36 = arith.constant 62 : i32
    %add3A_37 = arith.constant 1007616 : i32
    %add3A_38 = vector.broadcast %add3A_37 : i32 to vector<16xi32>
    %add3A_39 = arith.addi %add3A_31, %add3A_38 : vector<16xi32>
    %swap3A = arith.constant 984 : index
    %swap3A_40 = tpu.vector_load %arg6[%swap3A] {strides = array<i32>} : memref<2000xi32, #tpu.memory_space<vmem>>, vector<16xi32>,
    %swap3A_41 = vector.shape_cast %swap3A_40 : vector<16xi32> to vector<16xi32>
    %swap3A_42 = vector.shape_cast %add3A_39 : vector<16xi32> to vector<16xi32>
    tpu.vector_store %arg6[%swap3A], %swap3A_42 {strides = array<i32>} : memref<2000xi32, #tpu.memory_space<vmem>>, vector<16xi32>,
    %dma_start3A = arith.constant 0 : i32
    %dma_start3A_43 = tpu.memref_slice %arg7[%dma_start3A] : memref<2000xf32, #tpu.memory_space<vmem>> -> memref<128xf32, #tpu.memory_space<vmem>>
    %dma_start3A_44 = arith.constant 0 : i32
    %dma_start3A_45 = tpu.memref_slice %arg6[%dma_start3A_44] : memref<2000xi32, #tpu.memory_space<vmem>> -> memref<128xi32, #tpu.memory_space<vmem>>
    %dma_start3A_46 = arith.constant 0 : i32
    %dma_start3A_47 = tpu.memref_slice %arg2[%dma_start3A_46] : memref<51200000xf32, #tpu.memory_space<hbm>> -> memref<51200000xf32, #tpu.memory_space<hbm>>
    tpu.enqueue_indirect_dma source(%dma_start3A_47 : memref<51200000xf32, #tpu.memory_space<hbm>>) target(%dma_start3A_43 : memref<128xf32, #tpu.memory_space<vmem>>) offsets(%dma_start3A_45 : memref<128xi32, #tpu.memory_space<vmem>>) semaphore(%arg8 : memref<!tpu.dma_semaphore, #tpu.memory_space<semaphore_mem>>)
    %dma_start3A_48 = arith.constant 128 : i32
    %dma_start3A_49 = tpu.memref_slice %arg7[%dma_start3A_48] : memref<2000xf32, #tpu.memory_space<vmem>> -> memref<128xf32, #tpu.memory_space<vmem>>
    %dma_start3A_50 = arith.constant 128 : i32
    %dma_start3A_51 = tpu.memref_slice %arg6[%dma_start3A_50] : memref<2000xi32, #tpu.memory_space<vmem>> -> memref<128xi32, #tpu.memory_space<vmem>>
    %dma_start3A_52 = arith.constant 0 : i32
    %dma_start3A_53 = tpu.memref_slice %arg2[%dma_start3A_52] : memref<51200000xf32, #tpu.memory_space<hbm>> -> memref<51200000xf32, #tpu.memory_space<hbm>>
    tpu.enqueue_indirect_dma source(%dma_start3A_53 : memref<51200000xf32, #tpu.memory_space<hbm>>) target(%dma_start3A_49 : memref<128xf32, #tpu.memory_space<vmem>>) offsets(%dma_start3A_51 : memref<128xi32, #tpu.memory_space<vmem>>) semaphore(%arg8 : memref<!tpu.dma_semaphore, #tpu.memory_space<semaphore_mem>>)
    %dma_start3A_54 = arith.constant 256 : i32
    %dma_start3A_55 = tpu.memref_slice %arg7[%dma_start3A_54] : memref<2000xf32, #tpu.memory_space<vmem>> -> memref<128xf32, #tpu.memory_space<vmem>>
    %dma_start3A_56 = arith.constant 256 : i32
    %dma_start3A_57 = tpu.memref_slice %arg6[%dma_start3A_56] : memref<2000xi32, #tpu.memory_space<vmem>> -> memref<128xi32, #tpu.memory_space<vmem>>
    %dma_start3A_58 = arith.constant 0 : i32
    %dma_start3A_59 = tpu.memref_slice %arg2[%dma_start3A_58] : memref<51200000xf32, #tpu.memory_space<hbm>> -> memref<51200000xf32, #tpu.memory_space<hbm>>
    tpu.enqueue_indirect_dma source(%dma_start3A_59 : memref<51200000xf32, #tpu.memory_space<hbm>>) target(%dma_start3A_55 : memref<128xf32, #tpu.memory_space<vmem>>) offsets(%dma_start3A_57 : memref<128xi32, #tpu.memory_space<vmem>>) semaphore(%arg8 : memref<!tpu.dma_semaphore, #tpu.memory_space<semaphore_mem>>)
    %dma_start3A_60 = arith.constant 384 : i32
    %dma_start3A_61 = tpu.memref_slice %arg7[%dma_start3A_60] : memref<2000xf32, #tpu.memory_space<vmem>> -> memref<128xf32, #tpu.memory_space<vmem>>
    %dma_start3A_62 = arith.constant 384 : i32
    %dma_start3A_63 = tpu.memref_slice %arg6[%dma_start3A_62] : memref<2000xi32, #tpu.memory_space<vmem>> -> memref<128xi32, #tpu.memory_space<vmem>>
    %dma_start3A_64 = arith.constant 0 : i32
    %dma_start3A_65 = tpu.memref_slice %arg2[%dma_start3A_64] : memref<51200000xf32, #tpu.memory_space<hbm>> -> memref<51200000xf32, #tpu.memory_space<hbm>>
    tpu.enqueue_indirect_dma source(%dma_start3A_65 : memref<51200000xf32, #tpu.memory_space<hbm>>) target(%dma_start3A_61 : memref<128xf32, #tpu.memory_space<vmem>>) offsets(%dma_start3A_63 : memref<128xi32, #tpu.memory_space<vmem>>) semaphore(%arg8 : memref<!tpu.dma_semaphore, #tpu.memory_space<semaphore_mem>>)
    %dma_start3A_66 = arith.constant 512 : i32
    %dma_start3A_67 = tpu.memref_slice %arg7[%dma_start3A_66] : memref<2000xf32, #tpu.memory_space<vmem>> -> memref<128xf32, #tpu.memory_space<vmem>>
    %dma_start3A_68 = arith.constant 512 : i32
    %dma_start3A_69 = tpu.memref_slice %arg6[%dma_start3A_68] : memref<2000xi32, #tpu.memory_space<vmem>> -> memref<128xi32, #tpu.memory_space<vmem>>
    %dma_start3A_70 = arith.constant 0 : i32
    %dma_start3A_71 = tpu.memref_slice %arg2[%dma_start3A_70] : memref<51200000xf32, #tpu.memory_space<hbm>> -> memref<51200000xf32, #tpu.memory_space<hbm>>
    tpu.enqueue_indirect_dma source(%dma_start3A_71 : memref<51200000xf32, #tpu.memory_space<hbm>>) target(%dma_start3A_67 : memref<128xf32, #tpu.memory_space<vmem>>) offsets(%dma_start3A_69 : memref<128xi32, #tpu.memory_space<vmem>>) semaphore(%arg8 : memref<!tpu.dma_semaphore, #tpu.memory_space<semaphore_mem>>)
    %dma_start3A_72 = arith.constant 640 : i32
    %dma_start3A_73 = tpu.memref_slice %arg7[%dma_start3A_72] : memref<2000xf32, #tpu.memory_space<vmem>> -> memref<128xf32, #tpu.memory_space<vmem>>
    %dma_start3A_74 = arith.constant 640 : i32
    %dma_start3A_75 = tpu.memref_slice %arg6[%dma_start3A_74] : memref<2000xi32, #tpu.memory_space<vmem>> -> memref<128xi32, #tpu.memory_space<vmem>>
    %dma_start3A_76 = arith.constant 0 : i32
    %dma_start3A_77 = tpu.memref_slice %arg2[%dma_start3A_76] : memref<51200000xf32, #tpu.memory_space<hbm>> -> memref<51200000xf32, #tpu.memory_space<hbm>>
    tpu.enqueue_indirect_dma source(%dma_start3A_77 : memref<51200000xf32, #tpu.memory_space<hbm>>) target(%dma_start3A_73 : memref<128xf32, #tpu.memory_space<vmem>>) offsets(%dma_start3A_75 : memref<128xi32, #tpu.memory_space<vmem>>) semaphore(%arg8 : memref<!tpu.dma_semaphore, #tpu.memory_space<semaphore_mem>>)
    %dma_start3A_78 = arith.constant 768 : i32
    %dma_start3A_79 = tpu.memref_slice %arg7[%dma_start3A_78] : memref<2000xf32, #tpu.memory_space<vmem>> -> memref<128xf32, #tpu.memory_space<vmem>>
    %dma_start3A_80 = arith.constant 768 : i32
    %dma_start3A_81 = tpu.memref_slice %arg6[%dma_start3A_80] : memref<2000xi32, #tpu.memory_space<vmem>> -> memref<128xi32, #tpu.memory_space<vmem>>
    %dma_start3A_82 = arith.constant 0 : i32
    %dma_start3A_83 = tpu.memref_slice %arg2[%dma_start3A_82] : memref<51200000xf32, #tpu.memory_space<hbm>> -> memref<51200000xf32, #tpu.memory_space<hbm>>
    tpu.enqueue_indirect_dma source(%dma_start3A_83 : memref<51200000xf32, #tpu.memory_space<hbm>>) target(%dma_start3A_79 : memref<128xf32, #tpu.memory_space<vmem>>) offsets(%dma_start3A_81 : memref<128xi32, #tpu.memory_space<vmem>>) semaphore(%arg8 : memref<!tpu.dma_semaphore, #tpu.memory_space<semaphore_mem>>)
    %dma_start3A_84 = arith.constant 896 : i32
    %dma_start3A_85 = tpu.memref_slice %arg7[%dma_start3A_84] : memref<2000xf32, #tpu.memory_space<vmem>> -> memref<104xf32, #tpu.memory_space<vmem>>
    %dma_start3A_86 = arith.constant 896 : i32
    %dma_start3A_87 = tpu.memref_slice %arg6[%dma_start3A_86] : memref<2000xi32, #tpu.memory_space<vmem>> -> memref<104xi32, #tpu.memory_space<vmem>>
    %dma_start3A_88 = arith.constant 0 : i32
    %dma_start3A_89 = tpu.memref_slice %arg2[%dma_start3A_88] : memref<51200000xf32, #tpu.memory_space<hbm>> -> memref<51200000xf32, #tpu.memory_space<hbm>>
    tpu.enqueue_indirect_dma source(%dma_start3A_89 : memref<51200000xf32, #tpu.memory_space<hbm>>) target(%dma_start3A_85 : memref<104xf32, #tpu.memory_space<vmem>>) offsets(%dma_start3A_87 : memref<104xi32, #tpu.memory_space<vmem>>) semaphore(%arg8 : memref<!tpu.dma_semaphore, #tpu.memory_space<semaphore_mem>>)
    %mul3A_90 = arith.constant 1024000 : i32
    %mul3A_91 = arith.muli %select_n3A_27, %mul3A_90 : i32
    %add3A_92 = vector.broadcast %mul3A_91 : i32 to vector<16xi32>
    %add3A_93 = arith.addi %add3A_21, %add3A_92 : vector<16xi32>
    %scan3A_94 = arith.constant 0 : i32
    %scan3A_95 = arith.constant 62 : i32
    %scan3A_96 = arith.addi %scan3A_94, %scan3A_95 : i32
    %scan3A_97 = arith.constant 2 : i32
    %scan3A_98 = scf.for %scan3A_802 = %scan3A_94 to %scan3A_96 step %scan3A_97 iter_args(%scan3A_803 = %add3A_93) -> (vector<16xi32>)  : i32 {
      %mul3A_804 = arith.constant 16 : i32
      %mul3A_805 = arith.muli %scan3A_802, %mul3A_804 : i32
      %add3A_806 = arith.constant 1000 : i32
      %add3A_807 = arith.addi %add3A_806, %mul3A_805 : i32
      %swap3A_808 = arith.index_cast %add3A_807 : i32 to index
      %swap3A_809 = tpu.vector_load %arg6[%swap3A_808] {strides = array<i32>} : memref<2000xi32, #tpu.memory_space<vmem>>, vector<16xi32>,
      %swap3A_810 = vector.shape_cast %swap3A_809 : vector<16xi32> to vector<16xi32>
      %swap3A_811 = vector.shape_cast %scan3A_803 : vector<16xi32> to vector<16xi32>
      tpu.vector_store %arg6[%swap3A_808], %swap3A_811 {strides = array<i32>} : memref<2000xi32, #tpu.memory_space<vmem>>, vector<16xi32>,
      %add3A_812 = arith.constant 16384 : i32
      %add3A_813 = vector.broadcast %add3A_812 : i32 to vector<16xi32>
      %add3A_814 = arith.addi %scan3A_803, %add3A_813 : vector<16xi32>
      %scan3A_815 = arith.constant 1 : i32
      %scan3A_816 = arith.addi %scan3A_802, %scan3A_815 : i32
      %mul3A_817 = arith.constant 16 : i32
      %mul3A_818 = arith.muli %scan3A_816, %mul3A_817 : i32
      %add3A_819 = arith.constant 1000 : i32
      %add3A_820 = arith.addi %add3A_819, %mul3A_818 : i32
      %swap3A_821 = arith.index_cast %add3A_820 : i32 to index
      %swap3A_822 = tpu.vector_load %arg6[%swap3A_821] {strides = array<i32>} : memref<2000xi32, #tpu.memory_space<vmem>>, vector<16xi32>,
      %swap3A_823 = vector.shape_cast %swap3A_822 : vector<16xi32> to vector<16xi32>
      %swap3A_824 = vector.shape_cast %add3A_814 : vector<16xi32> to vector<16xi32>
      tpu.vector_store %arg6[%swap3A_821], %swap3A_824 {strides = array<i32>} : memref<2000xi32, #tpu.memory_space<vmem>>, vector<16xi32>,
      %add3A_825 = arith.constant 16384 : i32
      %add3A_826 = vector.broadcast %add3A_825 : i32 to vector<16xi32>
      %add3A_827 = arith.addi %add3A_814, %add3A_826 : vector<16xi32>
      scf.yield %add3A_827 : vector<16xi32>
    }
    %scan3A_99 = arith.constant 62 : i32
    %add3A_100 = arith.constant 1007616 : i32
    %add3A_101 = vector.broadcast %add3A_100 : i32 to vector<16xi32>
    %add3A_102 = arith.addi %add3A_93, %add3A_101 : vector<16xi32>
    %swap3A_103 = arith.constant 1984 : index
    %swap3A_104 = tpu.vector_load %arg6[%swap3A_103] {strides = array<i32>} : memref<2000xi32, #tpu.memory_space<vmem>>, vector<16xi32>,
    %swap3A_105 = vector.shape_cast %swap3A_104 : vector<16xi32> to vector<16xi32>
    %swap3A_106 = vector.shape_cast %add3A_102 : vector<16xi32> to vector<16xi32>
    tpu.vector_store %arg6[%swap3A_103], %swap3A_106 {strides = array<i32>} : memref<2000xi32, #tpu.memory_space<vmem>>, vector<16xi32>,
    %dma_start3A_107 = arith.constant 1000 : i32
    %dma_start3A_108 = tpu.memref_slice %arg7[%dma_start3A_107] : memref<2000xf32, #tpu.memory_space<vmem>> -> memref<128xf32, #tpu.memory_space<vmem>>
    %dma_start3A_109 = arith.constant 1000 : i32
    %dma_start3A_110 = tpu.memref_slice %arg6[%dma_start3A_109] : memref<2000xi32, #tpu.memory_space<vmem>> -> memref<128xi32, #tpu.memory_space<vmem>>
    %dma_start3A_111 = arith.constant 0 : i32
    %dma_start3A_112 = tpu.memref_slice %arg2[%dma_start3A_111] : memref<51200000xf32, #tpu.memory_space<hbm>> -> memref<51200000xf32, #tpu.memory_space<hbm>>
    tpu.enqueue_indirect_dma source(%dma_start3A_112 : memref<51200000xf32, #tpu.memory_space<hbm>>) target(%dma_start3A_108 : memref<128xf32, #tpu.memory_space<vmem>>) offsets(%dma_start3A_110 : memref<128xi32, #tpu.memory_space<vmem>>) semaphore(%arg9 : memref<!tpu.dma_semaphore, #tpu.memory_space<semaphore_mem>>)
    %dma_start3A_113 = arith.constant 1128 : i32
    %dma_start3A_114 = tpu.memref_slice %arg7[%dma_start3A_113] : memref<2000xf32, #tpu.memory_space<vmem>> -> memref<128xf32, #tpu.memory_space<vmem>>
    %dma_start3A_115 = arith.constant 1128 : i32
    %dma_start3A_116 = tpu.memref_slice %arg6[%dma_start3A_115] : memref<2000xi32, #tpu.memory_space<vmem>> -> memref<128xi32, #tpu.memory_space<vmem>>
    %dma_start3A_117 = arith.constant 0 : i32
    %dma_start3A_118 = tpu.memref_slice %arg2[%dma_start3A_117] : memref<51200000xf32, #tpu.memory_space<hbm>> -> memref<51200000xf32, #tpu.memory_space<hbm>>
    tpu.enqueue_indirect_dma source(%dma_start3A_118 : memref<51200000xf32, #tpu.memory_space<hbm>>) target(%dma_start3A_114 : memref<128xf32, #tpu.memory_space<vmem>>) offsets(%dma_start3A_116 : memref<128xi32, #tpu.memory_space<vmem>>) semaphore(%arg9 : memref<!tpu.dma_semaphore, #tpu.memory_space<semaphore_mem>>)
    %dma_start3A_119 = arith.constant 1256 : i32
    %dma_start3A_120 = tpu.memref_slice %arg7[%dma_start3A_119] : memref<2000xf32, #tpu.memory_space<vmem>> -> memref<128xf32, #tpu.memory_space<vmem>>
    %dma_start3A_121 = arith.constant 1256 : i32
    %dma_start3A_122 = tpu.memref_slice %arg6[%dma_start3A_121] : memref<2000xi32, #tpu.memory_space<vmem>> -> memref<128xi32, #tpu.memory_space<vmem>>
    %dma_start3A_123 = arith.constant 0 : i32
    %dma_start3A_124 = tpu.memref_slice %arg2[%dma_start3A_123] : memref<51200000xf32, #tpu.memory_space<hbm>> -> memref<51200000xf32, #tpu.memory_space<hbm>>
    tpu.enqueue_indirect_dma source(%dma_start3A_124 : memref<51200000xf32, #tpu.memory_space<hbm>>) target(%dma_start3A_120 : memref<128xf32, #tpu.memory_space<vmem>>) offsets(%dma_start3A_122 : memref<128xi32, #tpu.memory_space<vmem>>) semaphore(%arg9 : memref<!tpu.dma_semaphore, #tpu.memory_space<semaphore_mem>>)
    %dma_start3A_125 = arith.constant 1384 : i32
    %dma_start3A_126 = tpu.memref_slice %arg7[%dma_start3A_125] : memref<2000xf32, #tpu.memory_space<vmem>> -> memref<128xf32, #tpu.memory_space<vmem>>
    %dma_start3A_127 = arith.constant 1384 : i32
    %dma_start3A_128 = tpu.memref_slice %arg6[%dma_start3A_127] : memref<2000xi32, #tpu.memory_space<vmem>> -> memref<128xi32, #tpu.memory_space<vmem>>
    %dma_start3A_129 = arith.constant 0 : i32
    %dma_start3A_130 = tpu.memref_slice %arg2[%dma_start3A_129] : memref<51200000xf32, #tpu.memory_space<hbm>> -> memref<51200000xf32, #tpu.memory_space<hbm>>
    tpu.enqueue_indirect_dma source(%dma_start3A_130 : memref<51200000xf32, #tpu.memory_space<hbm>>) target(%dma_start3A_126 : memref<128xf32, #tpu.memory_space<vmem>>) offsets(%dma_start3A_128 : memref<128xi32, #tpu.memory_space<vmem>>) semaphore(%arg9 : memref<!tpu.dma_semaphore, #tpu.memory_space<semaphore_mem>>)
    %dma_start3A_131 = arith.constant 1512 : i32
    %dma_start3A_132 = tpu.memref_slice %arg7[%dma_start3A_131] : memref<2000xf32, #tpu.memory_space<vmem>> -> memref<128xf32, #tpu.memory_space<vmem>>
    %dma_start3A_133 = arith.constant 1512 : i32
    %dma_start3A_134 = tpu.memref_slice %arg6[%dma_start3A_133] : memref<2000xi32, #tpu.memory_space<vmem>> -> memref<128xi32, #tpu.memory_space<vmem>>
    %dma_start3A_135 = arith.constant 0 : i32
    %dma_start3A_136 = tpu.memref_slice %arg2[%dma_start3A_135] : memref<51200000xf32, #tpu.memory_space<hbm>> -> memref<51200000xf32, #tpu.memory_space<hbm>>
    tpu.enqueue_indirect_dma source(%dma_start3A_136 : memref<51200000xf32, #tpu.memory_space<hbm>>) target(%dma_start3A_132 : memref<128xf32, #tpu.memory_space<vmem>>) offsets(%dma_start3A_134 : memref<128xi32, #tpu.memory_space<vmem>>) semaphore(%arg9 : memref<!tpu.dma_semaphore, #tpu.memory_space<semaphore_mem>>)
    %dma_start3A_137 = arith.constant 1640 : i32
    %dma_start3A_138 = tpu.memref_slice %arg7[%dma_start3A_137] : memref<2000xf32, #tpu.memory_space<vmem>> -> memref<128xf32, #tpu.memory_space<vmem>>
    %dma_start3A_139 = arith.constant 1640 : i32
    %dma_start3A_140 = tpu.memref_slice %arg6[%dma_start3A_139] : memref<2000xi32, #tpu.memory_space<vmem>> -> memref<128xi32, #tpu.memory_space<vmem>>
    %dma_start3A_141 = arith.constant 0 : i32
    %dma_start3A_142 = tpu.memref_slice %arg2[%dma_start3A_141] : memref<51200000xf32, #tpu.memory_space<hbm>> -> memref<51200000xf32, #tpu.memory_space<hbm>>
    tpu.enqueue_indirect_dma source(%dma_start3A_142 : memref<51200000xf32, #tpu.memory_space<hbm>>) target(%dma_start3A_138 : memref<128xf32, #tpu.memory_space<vmem>>) offsets(%dma_start3A_140 : memref<128xi32, #tpu.memory_space<vmem>>) semaphore(%arg9 : memref<!tpu.dma_semaphore, #tpu.memory_space<semaphore_mem>>)
    %dma_start3A_143 = arith.constant 1768 : i32
    %dma_start3A_144 = tpu.memref_slice %arg7[%dma_start3A_143] : memref<2000xf32, #tpu.memory_space<vmem>> -> memref<128xf32, #tpu.memory_space<vmem>>
    %dma_start3A_145 = arith.constant 1768 : i32
    %dma_start3A_146 = tpu.memref_slice %arg6[%dma_start3A_145] : memref<2000xi32, #tpu.memory_space<vmem>> -> memref<128xi32, #tpu.memory_space<vmem>>
    %dma_start3A_147 = arith.constant 0 : i32
    %dma_start3A_148 = tpu.memref_slice %arg2[%dma_start3A_147] : memref<51200000xf32, #tpu.memory_space<hbm>> -> memref<51200000xf32, #tpu.memory_space<hbm>>
    tpu.enqueue_indirect_dma source(%dma_start3A_148 : memref<51200000xf32, #tpu.memory_space<hbm>>) target(%dma_start3A_144 : memref<128xf32, #tpu.memory_space<vmem>>) offsets(%dma_start3A_146 : memref<128xi32, #tpu.memory_space<vmem>>) semaphore(%arg9 : memref<!tpu.dma_semaphore, #tpu.memory_space<semaphore_mem>>)
    %dma_start3A_149 = arith.constant 1896 : i32
    %dma_start3A_150 = tpu.memref_slice %arg7[%dma_start3A_149] : memref<2000xf32, #tpu.memory_space<vmem>> -> memref<104xf32, #tpu.memory_space<vmem>>
    %dma_start3A_151 = arith.constant 1896 : i32
    %dma_start3A_152 = tpu.memref_slice %arg6[%dma_start3A_151] : memref<2000xi32, #tpu.memory_space<vmem>> -> memref<104xi32, #tpu.memory_space<vmem>>
    %dma_start3A_153 = arith.constant 0 : i32
    %dma_start3A_154 = tpu.memref_slice %arg2[%dma_start3A_153] : memref<51200000xf32, #tpu.memory_space<hbm>> -> memref<51200000xf32, #tpu.memory_space<hbm>>
    tpu.enqueue_indirect_dma source(%dma_start3A_154 : memref<51200000xf32, #tpu.memory_space<hbm>>) target(%dma_start3A_150 : memref<104xf32, #tpu.memory_space<vmem>>) offsets(%dma_start3A_152 : memref<104xi32, #tpu.memory_space<vmem>>) semaphore(%arg9 : memref<!tpu.dma_semaphore, #tpu.memory_space<semaphore_mem>>)
    %dma_wait3A = arith.constant 0 : i32
    %dma_wait3A_155 = tpu.memref_slice %arg7[%dma_wait3A] : memref<2000xf32, #tpu.memory_space<vmem>> -> memref<128xf32, #tpu.memory_space<vmem>>
    %dma_wait3A_156 = arith.constant 0 : i32
    %dma_wait3A_157 = tpu.memref_slice %arg6[%dma_wait3A_156] : memref<2000xi32, #tpu.memory_space<vmem>> -> memref<128xi32, #tpu.memory_space<vmem>>
    %dma_wait3A_158 = arith.constant 0 : i32
    %dma_wait3A_159 = tpu.memref_slice %arg2[%dma_wait3A_158] : memref<51200000xf32, #tpu.memory_space<hbm>> -> memref<51200000xf32, #tpu.memory_space<hbm>>
    tpu.wait_indirect_dma semaphore(%arg8 : memref<!tpu.dma_semaphore, #tpu.memory_space<semaphore_mem>>) src(%dma_wait3A_159 : memref<51200000xf32, #tpu.memory_space<hbm>>) dst(%dma_wait3A_155 : memref<128xf32, #tpu.memory_space<vmem>>)
    %dma_wait3A_160 = arith.constant 128 : i32
    %dma_wait3A_161 = tpu.memref_slice %arg7[%dma_wait3A_160] : memref<2000xf32, #tpu.memory_space<vmem>> -> memref<128xf32, #tpu.memory_space<vmem>>
    %dma_wait3A_162 = arith.constant 128 : i32
    %dma_wait3A_163 = tpu.memref_slice %arg6[%dma_wait3A_162] : memref<2000xi32, #tpu.memory_space<vmem>> -> memref<128xi32, #tpu.memory_space<vmem>>
    %dma_wait3A_164 = arith.constant 0 : i32
    %dma_wait3A_165 = tpu.memref_slice %arg2[%dma_wait3A_164] : memref<51200000xf32, #tpu.memory_space<hbm>> -> memref<51200000xf32, #tpu.memory_space<hbm>>
    tpu.wait_indirect_dma semaphore(%arg8 : memref<!tpu.dma_semaphore, #tpu.memory_space<semaphore_mem>>) src(%dma_wait3A_165 : memref<51200000xf32, #tpu.memory_space<hbm>>) dst(%dma_wait3A_161 : memref<128xf32, #tpu.memory_space<vmem>>)
    %dma_wait3A_166 = arith.constant 256 : i32
    %dma_wait3A_167 = tpu.memref_slice %arg7[%dma_wait3A_166] : memref<2000xf32, #tpu.memory_space<vmem>> -> memref<128xf32, #tpu.memory_space<vmem>>
    %dma_wait3A_168 = arith.constant 256 : i32
    %dma_wait3A_169 = tpu.memref_slice %arg6[%dma_wait3A_168] : memref<2000xi32, #tpu.memory_space<vmem>> -> memref<128xi32, #tpu.memory_space<vmem>>
    %dma_wait3A_170 = arith.constant 0 : i32
    %dma_wait3A_171 = tpu.memref_slice %arg2[%dma_wait3A_170] : memref<51200000xf32, #tpu.memory_space<hbm>> -> memref<51200000xf32, #tpu.memory_space<hbm>>
    tpu.wait_indirect_dma semaphore(%arg8 : memref<!tpu.dma_semaphore, #tpu.memory_space<semaphore_mem>>) src(%dma_wait3A_171 : memref<51200000xf32, #tpu.memory_space<hbm>>) dst(%dma_wait3A_167 : memref<128xf32, #tpu.memory_space<vmem>>)
    %dma_wait3A_172 = arith.constant 384 : i32
    %dma_wait3A_173 = tpu.memref_slice %arg7[%dma_wait3A_172] : memref<2000xf32, #tpu.memory_space<vmem>> -> memref<128xf32, #tpu.memory_space<vmem>>
    %dma_wait3A_174 = arith.constant 384 : i32
    %dma_wait3A_175 = tpu.memref_slice %arg6[%dma_wait3A_174] : memref<2000xi32, #tpu.memory_space<vmem>> -> memref<128xi32, #tpu.memory_space<vmem>>
    %dma_wait3A_176 = arith.constant 0 : i32
    %dma_wait3A_177 = tpu.memref_slice %arg2[%dma_wait3A_176] : memref<51200000xf32, #tpu.memory_space<hbm>> -> memref<51200000xf32, #tpu.memory_space<hbm>>
    tpu.wait_indirect_dma semaphore(%arg8 : memref<!tpu.dma_semaphore, #tpu.memory_space<semaphore_mem>>) src(%dma_wait3A_177 : memref<51200000xf32, #tpu.memory_space<hbm>>) dst(%dma_wait3A_173 : memref<128xf32, #tpu.memory_space<vmem>>)
    %dma_wait3A_178 = arith.constant 512 : i32
    %dma_wait3A_179 = tpu.memref_slice %arg7[%dma_wait3A_178] : memref<2000xf32, #tpu.memory_space<vmem>> -> memref<128xf32, #tpu.memory_space<vmem>>
    %dma_wait3A_180 = arith.constant 512 : i32
    %dma_wait3A_181 = tpu.memref_slice %arg6[%dma_wait3A_180] : memref<2000xi32, #tpu.memory_space<vmem>> -> memref<128xi32, #tpu.memory_space<vmem>>
    %dma_wait3A_182 = arith.constant 0 : i32
    %dma_wait3A_183 = tpu.memref_slice %arg2[%dma_wait3A_182] : memref<51200000xf32, #tpu.memory_space<hbm>> -> memref<51200000xf32, #tpu.memory_space<hbm>>
    tpu.wait_indirect_dma semaphore(%arg8 : memref<!tpu.dma_semaphore, #tpu.memory_space<semaphore_mem>>) src(%dma_wait3A_183 : memref<51200000xf32, #tpu.memory_space<hbm>>) dst(%dma_wait3A_179 : memref<128xf32, #tpu.memory_space<vmem>>)
    %dma_wait3A_184 = arith.constant 640 : i32
    %dma_wait3A_185 = tpu.memref_slice %arg7[%dma_wait3A_184] : memref<2000xf32, #tpu.memory_space<vmem>> -> memref<128xf32, #tpu.memory_space<vmem>>
    %dma_wait3A_186 = arith.constant 640 : i32
    %dma_wait3A_187 = tpu.memref_slice %arg6[%dma_wait3A_186] : memref<2000xi32, #tpu.memory_space<vmem>> -> memref<128xi32, #tpu.memory_space<vmem>>
    %dma_wait3A_188 = arith.constant 0 : i32
    %dma_wait3A_189 = tpu.memref_slice %arg2[%dma_wait3A_188] : memref<51200000xf32, #tpu.memory_space<hbm>> -> memref<51200000xf32, #tpu.memory_space<hbm>>
    tpu.wait_indirect_dma semaphore(%arg8 : memref<!tpu.dma_semaphore, #tpu.memory_space<semaphore_mem>>) src(%dma_wait3A_189 : memref<51200000xf32, #tpu.memory_space<hbm>>) dst(%dma_wait3A_185 : memref<128xf32, #tpu.memory_space<vmem>>)
    %dma_wait3A_190 = arith.constant 768 : i32
    %dma_wait3A_191 = tpu.memref_slice %arg7[%dma_wait3A_190] : memref<2000xf32, #tpu.memory_space<vmem>> -> memref<128xf32, #tpu.memory_space<vmem>>
    %dma_wait3A_192 = arith.constant 768 : i32
    %dma_wait3A_193 = tpu.memref_slice %arg6[%dma_wait3A_192] : memref<2000xi32, #tpu.memory_space<vmem>> -> memref<128xi32, #tpu.memory_space<vmem>>
    %dma_wait3A_194 = arith.constant 0 : i32
    %dma_wait3A_195 = tpu.memref_slice %arg2[%dma_wait3A_194] : memref<51200000xf32, #tpu.memory_space<hbm>> -> memref<51200000xf32, #tpu.memory_space<hbm>>
    tpu.wait_indirect_dma semaphore(%arg8 : memref<!tpu.dma_semaphore, #tpu.memory_space<semaphore_mem>>) src(%dma_wait3A_195 : memref<51200000xf32, #tpu.memory_space<hbm>>) dst(%dma_wait3A_191 : memref<128xf32, #tpu.memory_space<vmem>>)
    %dma_wait3A_196 = arith.constant 896 : i32
    %dma_wait3A_197 = tpu.memref_slice %arg7[%dma_wait3A_196] : memref<2000xf32, #tpu.memory_space<vmem>> -> memref<104xf32, #tpu.memory_space<vmem>>
    %dma_wait3A_198 = arith.constant 896 : i32
    %dma_wait3A_199 = tpu.memref_slice %arg6[%dma_wait3A_198] : memref<2000xi32, #tpu.memory_space<vmem>> -> memref<104xi32, #tpu.memory_space<vmem>>
    %dma_wait3A_200 = arith.constant 0 : i32
    %dma_wait3A_201 = tpu.memref_slice %arg2[%dma_wait3A_200] : memref<51200000xf32, #tpu.memory_space<hbm>> -> memref<51200000xf32, #tpu.memory_space<hbm>>
    tpu.wait_indirect_dma semaphore(%arg8 : memref<!tpu.dma_semaphore, #tpu.memory_space<semaphore_mem>>) src(%dma_wait3A_201 : memref<51200000xf32, #tpu.memory_space<hbm>>) dst(%dma_wait3A_197 : memref<104xf32, #tpu.memory_space<vmem>>)
    %broadcast_in_dim3A_202 = arith.constant 0.000000e+00 : f32
    %broadcast_in_dim3A_203 = vector.broadcast %broadcast_in_dim3A_202 : f32 to vector<16xf32>
    %scan3A_204 = arith.constant 0 : i32
    %scan3A_205 = arith.constant 60 : i32
    %scan3A_206 = arith.addi %scan3A_204, %scan3A_205 : i32
    %scan3A_207 = arith.constant 4 : i32
    %scan3A_208 = scf.for %scan3A_802 = %scan3A_204 to %scan3A_206 step %scan3A_207 iter_args(%scan3A_803 = %broadcast_in_dim3A_203) -> (vector<16xf32>)  : i32 {
      %mul3A_804 = arith.constant 16 : i32
      %mul3A_805 = arith.muli %scan3A_802, %mul3A_804 : i32
      %add3A_806 = arith.constant 0 : i32
      %add3A_807 = arith.addi %add3A_806, %mul3A_805 : i32
      %get3A_808 = arith.index_cast %add3A_807 : i32 to index
      %get3A_809 = tpu.vector_load %arg7[%get3A_808] {strides = array<i32>} : memref<2000xf32, #tpu.memory_space<vmem>>, vector<16xf32>,
      %get3A_810 = vector.shape_cast %get3A_809 : vector<16xf32> to vector<16xf32>
      %exp3A_811 = math.exp %get3A_810 : vector<16xf32>
      %add3A_812 = arith.addf %scan3A_803, %exp3A_811 : vector<16xf32>
      %scan3A_813 = arith.constant 1 : i32
      %scan3A_814 = arith.addi %scan3A_802, %scan3A_813 : i32
      %mul3A_815 = arith.constant 16 : i32
      %mul3A_816 = arith.muli %scan3A_814, %mul3A_815 : i32
      %add3A_817 = arith.constant 0 : i32
      %add3A_818 = arith.addi %add3A_817, %mul3A_816 : i32
      %get3A_819 = arith.index_cast %add3A_818 : i32 to index
      %get3A_820 = tpu.vector_load %arg7[%get3A_819] {strides = array<i32>} : memref<2000xf32, #tpu.memory_space<vmem>>, vector<16xf32>,
      %get3A_821 = vector.shape_cast %get3A_820 : vector<16xf32> to vector<16xf32>
      %exp3A_822 = math.exp %get3A_821 : vector<16xf32>
      %add3A_823 = arith.addf %add3A_812, %exp3A_822 : vector<16xf32>
      %scan3A_824 = arith.constant 2 : i32
      %scan3A_825 = arith.addi %scan3A_802, %scan3A_824 : i32
      %mul3A_826 = arith.constant 16 : i32
      %mul3A_827 = arith.muli %scan3A_825, %mul3A_826 : i32
      %add3A_828 = arith.constant 0 : i32
      %add3A_829 = arith.addi %add3A_828, %mul3A_827 : i32
      %get3A_830 = arith.index_cast %add3A_829 : i32 to index
      %get3A_831 = tpu.vector_load %arg7[%get3A_830] {strides = array<i32>} : memref<2000xf32, #tpu.memory_space<vmem>>, vector<16xf32>,
      %get3A_832 = vector.shape_cast %get3A_831 : vector<16xf32> to vector<16xf32>
      %exp3A_833 = math.exp %get3A_832 : vector<16xf32>
      %add3A_834 = arith.addf %add3A_823, %exp3A_833 : vector<16xf32>
      %scan3A_835 = arith.constant 3 : i32
      %scan3A_836 = arith.addi %scan3A_802, %scan3A_835 : i32
      %mul3A_837 = arith.constant 16 : i32
      %mul3A_838 = arith.muli %scan3A_836, %mul3A_837 : i32
      %add3A_839 = arith.constant 0 : i32
      %add3A_840 = arith.addi %add3A_839, %mul3A_838 : i32
      %get3A_841 = arith.index_cast %add3A_840 : i32 to index
      %get3A_842 = tpu.vector_load %arg7[%get3A_841] {strides = array<i32>} : memref<2000xf32, #tpu.memory_space<vmem>>, vector<16xf32>,
      %get3A_843 = vector.shape_cast %get3A_842 : vector<16xf32> to vector<16xf32>
      %exp3A_844 = math.exp %get3A_843 : vector<16xf32>
      %add3A_845 = arith.addf %add3A_834, %exp3A_844 : vector<16xf32>
      scf.yield %add3A_845 : vector<16xf32>
    }
    %scan3A_209 = arith.constant 60 : i32
    %scan3A_210 = arith.addi %scan3A_204, %scan3A_209 : i32
    %mul3A_211 = arith.constant 16 : i32
    %mul3A_212 = arith.muli %scan3A_210, %mul3A_211 : i32
    %add3A_213 = arith.constant 0 : i32
    %add3A_214 = arith.addi %add3A_213, %mul3A_212 : i32
    %get3A_215 = arith.index_cast %add3A_214 : i32 to index
    %get3A_216 = tpu.vector_load %arg7[%get3A_215] {strides = array<i32>} : memref<2000xf32, #tpu.memory_space<vmem>>, vector<16xf32>,
    %get3A_217 = vector.shape_cast %get3A_216 : vector<16xf32> to vector<16xf32>
    %exp3A = math.exp %get3A_217 : vector<16xf32>
    %add3A_218 = arith.addf %scan3A_208, %exp3A : vector<16xf32>
    %scan3A_219 = arith.constant 61 : i32
    %scan3A_220 = arith.addi %scan3A_204, %scan3A_219 : i32
    %mul3A_221 = arith.constant 16 : i32
    %mul3A_222 = arith.muli %scan3A_220, %mul3A_221 : i32
    %add3A_223 = arith.constant 0 : i32
    %add3A_224 = arith.addi %add3A_223, %mul3A_222 : i32
    %get3A_225 = arith.index_cast %add3A_224 : i32 to index
    %get3A_226 = tpu.vector_load %arg7[%get3A_225] {strides = array<i32>} : memref<2000xf32, #tpu.memory_space<vmem>>, vector<16xf32>,
    %get3A_227 = vector.shape_cast %get3A_226 : vector<16xf32> to vector<16xf32>
    %exp3A_228 = math.exp %get3A_227 : vector<16xf32>
    %add3A_229 = arith.addf %add3A_218, %exp3A_228 : vector<16xf32>
    %scan3A_230 = arith.constant 62 : i32
    %get3A_231 = arith.constant 984 : index
    %get3A_232 = tpu.vector_load %arg7[%get3A_231] {strides = array<i32>} : memref<2000xf32, #tpu.memory_space<vmem>>, vector<16xf32>,
    %get3A_233 = vector.shape_cast %get3A_232 : vector<16xf32> to vector<16xf32>
    %exp3A_234 = math.exp %get3A_233 : vector<16xf32>
    %iota3A_235 = tpu.iota {dimensions = array<i32: 0>} : vector<16xi32>
    %ge3A_236 = arith.constant 8 : i32
    %ge3A_237 = vector.broadcast %ge3A_236 : i32 to vector<16xi32>
    %ge3A_238 = arith.cmpi sge, %iota3A_235, %ge3A_237 : vector<16xi32>
    %jit3A_239 = arith.constant 0.000000e+00 : f32
    %broadcast_in_dim3A_240 = vector.broadcast %jit3A_239 : f32 to vector<16xf32>
    %select_n3A_241 = arith.select %ge3A_238, %exp3A_234, %broadcast_in_dim3A_240 : vector<16xi1>, vector<16xf32>
    %add3A_242 = arith.addf %add3A_229, %select_n3A_241 : vector<16xf32>
    %iota3A_243 = tpu.iota {dimensions = array<i32: 0>} : vector<16xi32>
    %xor3A = arith.constant 1 : i32
    %xor3A_244 = vector.broadcast %xor3A : i32 to vector<16xi32>
    %xor3A_245 = arith.xori %iota3A_243, %xor3A_244 : vector<16xi32>
    %lt3A_246 = arith.constant 0 : i32
    %lt3A_247 = vector.broadcast %lt3A_246 : i32 to vector<16xi32>
    %lt3A_248 = arith.cmpi slt, %xor3A_245, %lt3A_247 : vector<16xi32>
    %add3A_249 = arith.constant 16 : i32
    %add3A_250 = vector.broadcast %add3A_249 : i32 to vector<16xi32>
    %add3A_251 = arith.addi %xor3A_245, %add3A_250 : vector<16xi32>
    %select_n3A_252 = arith.select %lt3A_248, %add3A_251, %xor3A_245 : vector<16xi1>, vector<16xi32>
    %broadcast_in_dim3A_253 = vector.shape_cast %select_n3A_252 : vector<16xi32> to vector<16x1xi32>
    %gather3A = vector.shape_cast %broadcast_in_dim3A_253 : vector<16x1xi32> to vector<16xi32>
    %gather3A_254 = tpu.dynamic_gather %add3A_242[%gather3A] in [0] : vector<16xf32>, vector<16xi32> -> vector<16xf32>
    %add3A_255 = arith.addf %add3A_242, %gather3A_254 : vector<16xf32>
    %xor3A_256 = arith.constant 2 : i32
    %xor3A_257 = vector.broadcast %xor3A_256 : i32 to vector<16xi32>
    %xor3A_258 = arith.xori %iota3A_243, %xor3A_257 : vector<16xi32>
    %lt3A_259 = arith.constant 0 : i32
    %lt3A_260 = vector.broadcast %lt3A_259 : i32 to vector<16xi32>
    %lt3A_261 = arith.cmpi slt, %xor3A_258, %lt3A_260 : vector<16xi32>
    %add3A_262 = arith.constant 16 : i32
    %add3A_263 = vector.broadcast %add3A_262 : i32 to vector<16xi32>
    %add3A_264 = arith.addi %xor3A_258, %add3A_263 : vector<16xi32>
    %select_n3A_265 = arith.select %lt3A_261, %add3A_264, %xor3A_258 : vector<16xi1>, vector<16xi32>
    %broadcast_in_dim3A_266 = vector.shape_cast %select_n3A_265 : vector<16xi32> to vector<16x1xi32>
    %gather3A_267 = vector.shape_cast %broadcast_in_dim3A_266 : vector<16x1xi32> to vector<16xi32>
    %gather3A_268 = tpu.dynamic_gather %add3A_255[%gather3A_267] in [0] : vector<16xf32>, vector<16xi32> -> vector<16xf32>
    %add3A_269 = arith.addf %add3A_255, %gather3A_268 : vector<16xf32>
    %xor3A_270 = arith.constant 4 : i32
    %xor3A_271 = vector.broadcast %xor3A_270 : i32 to vector<16xi32>
    %xor3A_272 = arith.xori %iota3A_243, %xor3A_271 : vector<16xi32>
    %lt3A_273 = arith.constant 0 : i32
    %lt3A_274 = vector.broadcast %lt3A_273 : i32 to vector<16xi32>
    %lt3A_275 = arith.cmpi slt, %xor3A_272, %lt3A_274 : vector<16xi32>
    %add3A_276 = arith.constant 16 : i32
    %add3A_277 = vector.broadcast %add3A_276 : i32 to vector<16xi32>
    %add3A_278 = arith.addi %xor3A_272, %add3A_277 : vector<16xi32>
    %select_n3A_279 = arith.select %lt3A_275, %add3A_278, %xor3A_272 : vector<16xi1>, vector<16xi32>
    %broadcast_in_dim3A_280 = vector.shape_cast %select_n3A_279 : vector<16xi32> to vector<16x1xi32>
    %gather3A_281 = vector.shape_cast %broadcast_in_dim3A_280 : vector<16x1xi32> to vector<16xi32>
    %gather3A_282 = tpu.dynamic_gather %add3A_269[%gather3A_281] in [0] : vector<16xf32>, vector<16xi32> -> vector<16xf32>
    %add3A_283 = arith.addf %add3A_269, %gather3A_282 : vector<16xf32>
    %xor3A_284 = arith.constant 8 : i32
    %xor3A_285 = vector.broadcast %xor3A_284 : i32 to vector<16xi32>
    %xor3A_286 = arith.xori %iota3A_243, %xor3A_285 : vector<16xi32>
    %lt3A_287 = arith.constant 0 : i32
    %lt3A_288 = vector.broadcast %lt3A_287 : i32 to vector<16xi32>
    %lt3A_289 = arith.cmpi slt, %xor3A_286, %lt3A_288 : vector<16xi32>
    %add3A_290 = arith.constant 16 : i32
    %add3A_291 = vector.broadcast %add3A_290 : i32 to vector<16xi32>
    %add3A_292 = arith.addi %xor3A_286, %add3A_291 : vector<16xi32>
    %select_n3A_293 = arith.select %lt3A_289, %add3A_292, %xor3A_286 : vector<16xi1>, vector<16xi32>
    %broadcast_in_dim3A_294 = vector.shape_cast %select_n3A_293 : vector<16xi32> to vector<16x1xi32>
    %gather3A_295 = vector.shape_cast %broadcast_in_dim3A_294 : vector<16x1xi32> to vector<16xi32>
    %gather3A_296 = tpu.dynamic_gather %add3A_283[%gather3A_295] in [0] : vector<16xf32>, vector<16xi32> -> vector<16xf32>
    %add3A_297 = arith.addf %add3A_283, %gather3A_296 : vector<16xf32>
    %bitcast_convert_type3A = tpu.bitcast %add3A_297 : vector<16xf32> -> vector<16xi32>
    %shift_right_arithmetic3A_298 = arith.constant 23 : i32
    %shift_right_arithmetic3A_299 = vector.broadcast %shift_right_arithmetic3A_298 : i32 to vector<16xi32>
    %shift_right_arithmetic3A_300 = arith.shrsi %bitcast_convert_type3A, %shift_right_arithmetic3A_299 : vector<16xi32>
    %sub3A = arith.constant 126 : i32
    %sub3A_301 = vector.broadcast %sub3A : i32 to vector<16xi32>
    %sub3A_302 = arith.subi %shift_right_arithmetic3A_300, %sub3A_301 : vector<16xi32>
    %and3A_303 = arith.constant 8388607 : i32
    %and3A_304 = vector.broadcast %and3A_303 : i32 to vector<16xi32>
    %and3A_305 = arith.andi %bitcast_convert_type3A, %and3A_304 : vector<16xi32>
    %or3A = arith.constant 1056964608 : i32
    %or3A_306 = vector.broadcast %or3A : i32 to vector<16xi32>
    %or3A_307 = arith.ori %and3A_305, %or3A_306 : vector<16xi32>
    %bitcast_convert_type3A_308 = tpu.bitcast %or3A_307 : vector<16xi32> -> vector<16xf32>
    %lt3A_309 = arith.constant 0.707106769 : f32
    %lt3A_310 = vector.broadcast %lt3A_309 : f32 to vector<16xf32>
    %lt3A_311 = arith.cmpf olt, %bitcast_convert_type3A_308, %lt3A_310 : vector<16xf32>
    %sub3A_312 = arith.constant 1 : i32
    %sub3A_313 = vector.broadcast %sub3A_312 : i32 to vector<16xi32>
    %sub3A_314 = arith.subi %sub3A_302, %sub3A_313 : vector<16xi32>
    %select_n3A_315 = arith.select %lt3A_311, %sub3A_314, %sub3A_302 : vector<16xi1>, vector<16xi32>
    %convert_element_type3A = arith.sitofp %select_n3A_315 : vector<16xi32> to vector<16xf32>
    %add3A_316 = arith.addf %bitcast_convert_type3A_308, %bitcast_convert_type3A_308 : vector<16xf32>
    %select_n3A_317 = arith.select %lt3A_311, %add3A_316, %bitcast_convert_type3A_308 : vector<16xi1>, vector<16xf32>
    %sub3A_318 = arith.constant 1.000000e+00 : f32
    %sub3A_319 = vector.broadcast %sub3A_318 : f32 to vector<16xf32>
    %sub3A_320 = arith.subf %select_n3A_317, %sub3A_319 : vector<16xf32>
    %mul3A_321 = arith.mulf %sub3A_320, %sub3A_320 : vector<16xf32>
    %broadcast_in_dim3A_322 = arith.constant 0.124839589 : f32
    %broadcast_in_dim3A_323 = vector.broadcast %broadcast_in_dim3A_322 : f32 to vector<16xf32>
    %mul3A_324 = arith.mulf %broadcast_in_dim3A_323, %sub3A_320 : vector<16xf32>
    %add3A_325 = arith.constant -0.180305406 : f32
    %add3A_326 = vector.broadcast %add3A_325 : f32 to vector<16xf32>
    %add3A_327 = arith.addf %mul3A_324, %add3A_326 : vector<16xf32>
    %mul3A_328 = arith.mulf %add3A_327, %sub3A_320 : vector<16xf32>
    %add3A_329 = arith.constant 0.201999024 : f32
    %add3A_330 = vector.broadcast %add3A_329 : f32 to vector<16xf32>
    %add3A_331 = arith.addf %mul3A_328, %add3A_330 : vector<16xf32>
    %mul3A_332 = arith.mulf %add3A_331, %sub3A_320 : vector<16xf32>
    %add3A_333 = arith.constant -0.249701336 : f32
    %add3A_334 = vector.broadcast %add3A_333 : f32 to vector<16xf32>
    %add3A_335 = arith.addf %mul3A_332, %add3A_334 : vector<16xf32>
    %mul3A_336 = arith.mulf %add3A_335, %sub3A_320 : vector<16xf32>
    %add3A_337 = arith.constant 0.333314806 : f32
    %add3A_338 = vector.broadcast %add3A_337 : f32 to vector<16xf32>
    %add3A_339 = arith.addf %mul3A_336, %add3A_338 : vector<16xf32>
    %mul3A_340 = arith.mulf %sub3A_320, %mul3A_321 : vector<16xf32>
    %mul3A_341 = arith.mulf %mul3A_340, %add3A_339 : vector<16xf32>
    %mul3A_342 = arith.constant -2.12194442E-4 : f32
    %mul3A_343 = vector.broadcast %mul3A_342 : f32 to vector<16xf32>
    %mul3A_344 = arith.mulf %convert_element_type3A, %mul3A_343 : vector<16xf32>
    %add3A_345 = arith.addf %mul3A_341, %mul3A_344 : vector<16xf32>
    %mul3A_346 = arith.constant 5.000000e-01 : f32
    %mul3A_347 = vector.broadcast %mul3A_346 : f32 to vector<16xf32>
    %mul3A_348 = arith.mulf %mul3A_347, %mul3A_321 : vector<16xf32>
    %sub3A_349 = arith.subf %add3A_345, %mul3A_348 : vector<16xf32>
    %add3A_350 = arith.addf %sub3A_320, %sub3A_349 : vector<16xf32>
    %mul3A_351 = arith.constant 0.693359375 : f32
    %mul3A_352 = vector.broadcast %mul3A_351 : f32 to vector<16xf32>
    %mul3A_353 = arith.mulf %convert_element_type3A, %mul3A_352 : vector<16xf32>
    %add3A_354 = arith.addf %add3A_350, %mul3A_353 : vector<16xf32>
    %scan3A_355 = arith.constant 0 : i32
    %scan3A_356 = arith.constant 0 : i32
    %scan3A_357 = arith.constant 60 : i32
    %scan3A_358 = arith.addi %scan3A_356, %scan3A_357 : i32
    %scan3A_359 = arith.constant 4 : i32
    scf.for %scan3A_802 = %scan3A_356 to %scan3A_358 step %scan3A_359  : i32 {
      %mul3A_803 = arith.constant 16 : i32
      %mul3A_804 = arith.muli %scan3A_802, %mul3A_803 : i32
      %add3A_805 = arith.constant 0 : i32
      %add3A_806 = arith.addi %add3A_805, %mul3A_804 : i32
      %get3A_807 = arith.index_cast %add3A_806 : i32 to index
      %get3A_808 = tpu.vector_load %arg7[%get3A_807] {strides = array<i32>} : memref<2000xf32, #tpu.memory_space<vmem>>, vector<16xf32>,
      %get3A_809 = vector.shape_cast %get3A_808 : vector<16xf32> to vector<16xf32>
      %sub3A_810 = arith.subf %get3A_809, %add3A_354 : vector<16xf32>
      %mul3A_811 = arith.constant 16 : i32
      %mul3A_812 = arith.muli %scan3A_802, %mul3A_811 : i32
      %add3A_813 = arith.constant 0 : i32
      %add3A_814 = arith.addi %add3A_813, %mul3A_812 : i32
      %swap3A_815 = arith.index_cast %add3A_814 : i32 to index
      %swap3A_816 = tpu.vector_load %arg7[%swap3A_815] {strides = array<i32>} : memref<2000xf32, #tpu.memory_space<vmem>>, vector<16xf32>,
      %swap3A_817 = vector.shape_cast %swap3A_816 : vector<16xf32> to vector<16xf32>
      %swap3A_818 = vector.shape_cast %sub3A_810 : vector<16xf32> to vector<16xf32>
      tpu.vector_store %arg7[%swap3A_815], %swap3A_818 {strides = array<i32>} : memref<2000xf32, #tpu.memory_space<vmem>>, vector<16xf32>,
      %scan3A_819 = arith.constant 1 : i32
      %scan3A_820 = arith.addi %scan3A_802, %scan3A_819 : i32
      %mul3A_821 = arith.constant 16 : i32
      %mul3A_822 = arith.muli %scan3A_820, %mul3A_821 : i32
      %add3A_823 = arith.constant 0 : i32
      %add3A_824 = arith.addi %add3A_823, %mul3A_822 : i32
      %get3A_825 = arith.index_cast %add3A_824 : i32 to index
      %get3A_826 = tpu.vector_load %arg7[%get3A_825] {strides = array<i32>} : memref<2000xf32, #tpu.memory_space<vmem>>, vector<16xf32>,
      %get3A_827 = vector.shape_cast %get3A_826 : vector<16xf32> to vector<16xf32>
      %sub3A_828 = arith.subf %get3A_827, %add3A_354 : vector<16xf32>
      %mul3A_829 = arith.constant 16 : i32
      %mul3A_830 = arith.muli %scan3A_820, %mul3A_829 : i32
      %add3A_831 = arith.constant 0 : i32
      %add3A_832 = arith.addi %add3A_831, %mul3A_830 : i32
      %swap3A_833 = arith.index_cast %add3A_832 : i32 to index
      %swap3A_834 = tpu.vector_load %arg7[%swap3A_833] {strides = array<i32>} : memref<2000xf32, #tpu.memory_space<vmem>>, vector<16xf32>,
      %swap3A_835 = vector.shape_cast %swap3A_834 : vector<16xf32> to vector<16xf32>
      %swap3A_836 = vector.shape_cast %sub3A_828 : vector<16xf32> to vector<16xf32>
      tpu.vector_store %arg7[%swap3A_833], %swap3A_836 {strides = array<i32>} : memref<2000xf32, #tpu.memory_space<vmem>>, vector<16xf32>,
      %scan3A_837 = arith.constant 2 : i32
      %scan3A_838 = arith.addi %scan3A_802, %scan3A_837 : i32
      %mul3A_839 = arith.constant 16 : i32
      %mul3A_840 = arith.muli %scan3A_838, %mul3A_839 : i32
      %add3A_841 = arith.constant 0 : i32
      %add3A_842 = arith.addi %add3A_841, %mul3A_840 : i32
      %get3A_843 = arith.index_cast %add3A_842 : i32 to index
      %get3A_844 = tpu.vector_load %arg7[%get3A_843] {strides = array<i32>} : memref<2000xf32, #tpu.memory_space<vmem>>, vector<16xf32>,
      %get3A_845 = vector.shape_cast %get3A_844 : vector<16xf32> to vector<16xf32>
      %sub3A_846 = arith.subf %get3A_845, %add3A_354 : vector<16xf32>
      %mul3A_847 = arith.constant 16 : i32
      %mul3A_848 = arith.muli %scan3A_838, %mul3A_847 : i32
      %add3A_849 = arith.constant 0 : i32
      %add3A_850 = arith.addi %add3A_849, %mul3A_848 : i32
      %swap3A_851 = arith.index_cast %add3A_850 : i32 to index
      %swap3A_852 = tpu.vector_load %arg7[%swap3A_851] {strides = array<i32>} : memref<2000xf32, #tpu.memory_space<vmem>>, vector<16xf32>,
      %swap3A_853 = vector.shape_cast %swap3A_852 : vector<16xf32> to vector<16xf32>
      %swap3A_854 = vector.shape_cast %sub3A_846 : vector<16xf32> to vector<16xf32>
      tpu.vector_store %arg7[%swap3A_851], %swap3A_854 {strides = array<i32>} : memref<2000xf32, #tpu.memory_space<vmem>>, vector<16xf32>,
      %scan3A_855 = arith.constant 3 : i32
      %scan3A_856 = arith.addi %scan3A_802, %scan3A_855 : i32
      %mul3A_857 = arith.constant 16 : i32
      %mul3A_858 = arith.muli %scan3A_856, %mul3A_857 : i32
      %add3A_859 = arith.constant 0 : i32
      %add3A_860 = arith.addi %add3A_859, %mul3A_858 : i32
      %get3A_861 = arith.index_cast %add3A_860 : i32 to index
      %get3A_862 = tpu.vector_load %arg7[%get3A_861] {strides = array<i32>} : memref<2000xf32, #tpu.memory_space<vmem>>, vector<16xf32>,
      %get3A_863 = vector.shape_cast %get3A_862 : vector<16xf32> to vector<16xf32>
      %sub3A_864 = arith.subf %get3A_863, %add3A_354 : vector<16xf32>
      %mul3A_865 = arith.constant 16 : i32
      %mul3A_866 = arith.muli %scan3A_856, %mul3A_865 : i32
      %add3A_867 = arith.constant 0 : i32
      %add3A_868 = arith.addi %add3A_867, %mul3A_866 : i32
      %swap3A_869 = arith.index_cast %add3A_868 : i32 to index
      %swap3A_870 = tpu.vector_load %arg7[%swap3A_869] {strides = array<i32>} : memref<2000xf32, #tpu.memory_space<vmem>>, vector<16xf32>,
      %swap3A_871 = vector.shape_cast %swap3A_870 : vector<16xf32> to vector<16xf32>
      %swap3A_872 = vector.shape_cast %sub3A_864 : vector<16xf32> to vector<16xf32>
      tpu.vector_store %arg7[%swap3A_869], %swap3A_872 {strides = array<i32>} : memref<2000xf32, #tpu.memory_space<vmem>>, vector<16xf32>,
    }
    %scan3A_360 = arith.constant 60 : i32
    %scan3A_361 = arith.addi %scan3A_356, %scan3A_360 : i32
    %mul3A_362 = arith.constant 16 : i32
    %mul3A_363 = arith.muli %scan3A_361, %mul3A_362 : i32
    %add3A_364 = arith.constant 0 : i32
    %add3A_365 = arith.addi %add3A_364, %mul3A_363 : i32
    %get3A_366 = arith.index_cast %add3A_365 : i32 to index
    %get3A_367 = tpu.vector_load %arg7[%get3A_366] {strides = array<i32>} : memref<2000xf32, #tpu.memory_space<vmem>>, vector<16xf32>,
    %get3A_368 = vector.shape_cast %get3A_367 : vector<16xf32> to vector<16xf32>
    %sub3A_369 = arith.subf %get3A_368, %add3A_354 : vector<16xf32>
    %mul3A_370 = arith.constant 16 : i32
    %mul3A_371 = arith.muli %scan3A_361, %mul3A_370 : i32
    %add3A_372 = arith.constant 0 : i32
    %add3A_373 = arith.addi %add3A_372, %mul3A_371 : i32
    %swap3A_374 = arith.index_cast %add3A_373 : i32 to index
    %swap3A_375 = tpu.vector_load %arg7[%swap3A_374] {strides = array<i32>} : memref<2000xf32, #tpu.memory_space<vmem>>, vector<16xf32>,
    %swap3A_376 = vector.shape_cast %swap3A_375 : vector<16xf32> to vector<16xf32>
    %swap3A_377 = vector.shape_cast %sub3A_369 : vector<16xf32> to vector<16xf32>
    tpu.vector_store %arg7[%swap3A_374], %swap3A_377 {strides = array<i32>} : memref<2000xf32, #tpu.memory_space<vmem>>, vector<16xf32>,
    %scan3A_378 = arith.constant 61 : i32
    %scan3A_379 = arith.addi %scan3A_356, %scan3A_378 : i32
    %mul3A_380 = arith.constant 16 : i32
    %mul3A_381 = arith.muli %scan3A_379, %mul3A_380 : i32
    %add3A_382 = arith.constant 0 : i32
    %add3A_383 = arith.addi %add3A_382, %mul3A_381 : i32
    %get3A_384 = arith.index_cast %add3A_383 : i32 to index
    %get3A_385 = tpu.vector_load %arg7[%get3A_384] {strides = array<i32>} : memref<2000xf32, #tpu.memory_space<vmem>>, vector<16xf32>,
    %get3A_386 = vector.shape_cast %get3A_385 : vector<16xf32> to vector<16xf32>
    %sub3A_387 = arith.subf %get3A_386, %add3A_354 : vector<16xf32>
    %mul3A_388 = arith.constant 16 : i32
    %mul3A_389 = arith.muli %scan3A_379, %mul3A_388 : i32
    %add3A_390 = arith.constant 0 : i32
    %add3A_391 = arith.addi %add3A_390, %mul3A_389 : i32
    %swap3A_392 = arith.index_cast %add3A_391 : i32 to index
    %swap3A_393 = tpu.vector_load %arg7[%swap3A_392] {strides = array<i32>} : memref<2000xf32, #tpu.memory_space<vmem>>, vector<16xf32>,
    %swap3A_394 = vector.shape_cast %swap3A_393 : vector<16xf32> to vector<16xf32>
    %swap3A_395 = vector.shape_cast %sub3A_387 : vector<16xf32> to vector<16xf32>
    tpu.vector_store %arg7[%swap3A_392], %swap3A_395 {strides = array<i32>} : memref<2000xf32, #tpu.memory_space<vmem>>, vector<16xf32>,
    %scan3A_396 = arith.constant 62 : i32
    %get3A_397 = arith.constant 984 : index
    %get3A_398 = tpu.vector_load %arg7[%get3A_397] {strides = array<i32>} : memref<2000xf32, #tpu.memory_space<vmem>>, vector<16xf32>,
    %get3A_399 = vector.shape_cast %get3A_398 : vector<16xf32> to vector<16xf32>
    %ge3A_400 = arith.constant 8 : i32
    %ge3A_401 = vector.broadcast %ge3A_400 : i32 to vector<16xi32>
    %ge3A_402 = arith.cmpi sge, %iota3A_235, %ge3A_401 : vector<16xi32>
    %jit3A_403 = arith.constant 0.000000e+00 : f32
    %broadcast_in_dim3A_404 = vector.broadcast %jit3A_403 : f32 to vector<16xf32>
    %select_n3A_405 = arith.select %ge3A_402, %add3A_354, %broadcast_in_dim3A_404 : vector<16xi1>, vector<16xf32>
    %sub3A_406 = arith.subf %get3A_399, %select_n3A_405 : vector<16xf32>
    %swap3A_407 = arith.constant 984 : index
    %swap3A_408 = tpu.vector_load %arg7[%swap3A_407] {strides = array<i32>} : memref<2000xf32, #tpu.memory_space<vmem>>, vector<16xf32>,
    %swap3A_409 = vector.shape_cast %swap3A_408 : vector<16xf32> to vector<16xf32>
    %swap3A_410 = vector.shape_cast %sub3A_406 : vector<16xf32> to vector<16xf32>
    tpu.vector_store %arg7[%swap3A_407], %swap3A_410 {strides = array<i32>} : memref<2000xf32, #tpu.memory_space<vmem>>, vector<16xf32>,
    %shift_right_arithmetic3A_411 = arith.constant 3 : i32
    %shift_right_arithmetic3A_412 = arith.shrsi %add3A, %shift_right_arithmetic3A_411 : i32
    %mul3A_413 = arith.constant 8192 : i32
    %mul3A_414 = arith.muli %shift_right_arithmetic3A_412, %mul3A_413 : i32
    %and3A_415 = arith.constant 7 : i32
    %and3A_416 = arith.andi %add3A, %and3A_415 : i32
    %mul3A_417 = arith.constant 128 : i32
    %mul3A_418 = arith.muli %and3A_416, %mul3A_417 : i32
    %add3A_419 = arith.addi %mul3A_414, %mul3A_418 : i32
    %add3A_420 = arith.constant 0 : i32
    %add3A_421 = arith.addi %add3A_419, %add3A_420 : i32
    %dma_start3A_422 = arith.constant 0 : i32
    %dma_start3A_423 = tpu.memref_slice %arg7[%dma_start3A_422] : memref<2000xf32, #tpu.memory_space<vmem>> -> memref<128xf32, #tpu.memory_space<vmem>>
    %dma_start3A_424 = tpu.memref_slice %arg4[%add3A_421] : memref<57344xf32, #tpu.memory_space<hbm>> -> memref<128xf32, #tpu.memory_space<hbm>>
    %dma_start3A_425 = tpu.memref_slice %arg4[%add3A_421] : memref<57344xf32, #tpu.memory_space<hbm>> -> memref<128xf32, #tpu.memory_space<hbm>>
    %dma_start3A_426 = arith.constant 0 : i32
    %dma_start3A_427 = tpu.memref_slice %arg7[%dma_start3A_426] : memref<2000xf32, #tpu.memory_space<vmem>> -> memref<128xf32, #tpu.memory_space<vmem>>
    tpu.enqueue_dma source(%dma_start3A_427 : memref<128xf32, #tpu.memory_space<vmem>>) target(%dma_start3A_425 : memref<128xf32, #tpu.memory_space<hbm>>) target_semaphore(%arg10 : memref<!tpu.dma_semaphore, #tpu.memory_space<semaphore_mem>>)
    %add3A_428 = arith.constant 1024 : i32
    %add3A_429 = arith.addi %add3A_419, %add3A_428 : i32
    %dma_start3A_430 = arith.constant 128 : i32
    %dma_start3A_431 = tpu.memref_slice %arg7[%dma_start3A_430] : memref<2000xf32, #tpu.memory_space<vmem>> -> memref<128xf32, #tpu.memory_space<vmem>>
    %dma_start3A_432 = tpu.memref_slice %arg4[%add3A_429] : memref<57344xf32, #tpu.memory_space<hbm>> -> memref<128xf32, #tpu.memory_space<hbm>>
    %dma_start3A_433 = tpu.memref_slice %arg4[%add3A_429] : memref<57344xf32, #tpu.memory_space<hbm>> -> memref<128xf32, #tpu.memory_space<hbm>>
    %dma_start3A_434 = arith.constant 128 : i32
    %dma_start3A_435 = tpu.memref_slice %arg7[%dma_start3A_434] : memref<2000xf32, #tpu.memory_space<vmem>> -> memref<128xf32, #tpu.memory_space<vmem>>
    tpu.enqueue_dma source(%dma_start3A_435 : memref<128xf32, #tpu.memory_space<vmem>>) target(%dma_start3A_433 : memref<128xf32, #tpu.memory_space<hbm>>) target_semaphore(%arg10 : memref<!tpu.dma_semaphore, #tpu.memory_space<semaphore_mem>>)
    %add3A_436 = arith.constant 2048 : i32
    %add3A_437 = arith.addi %add3A_419, %add3A_436 : i32
    %dma_start3A_438 = arith.constant 256 : i32
    %dma_start3A_439 = tpu.memref_slice %arg7[%dma_start3A_438] : memref<2000xf32, #tpu.memory_space<vmem>> -> memref<128xf32, #tpu.memory_space<vmem>>
    %dma_start3A_440 = tpu.memref_slice %arg4[%add3A_437] : memref<57344xf32, #tpu.memory_space<hbm>> -> memref<128xf32, #tpu.memory_space<hbm>>
    %dma_start3A_441 = tpu.memref_slice %arg4[%add3A_437] : memref<57344xf32, #tpu.memory_space<hbm>> -> memref<128xf32, #tpu.memory_space<hbm>>
    %dma_start3A_442 = arith.constant 256 : i32
    %dma_start3A_443 = tpu.memref_slice %arg7[%dma_start3A_442] : memref<2000xf32, #tpu.memory_space<vmem>> -> memref<128xf32, #tpu.memory_space<vmem>>
    tpu.enqueue_dma source(%dma_start3A_443 : memref<128xf32, #tpu.memory_space<vmem>>) target(%dma_start3A_441 : memref<128xf32, #tpu.memory_space<hbm>>) target_semaphore(%arg10 : memref<!tpu.dma_semaphore, #tpu.memory_space<semaphore_mem>>)
    %add3A_444 = arith.constant 3072 : i32
    %add3A_445 = arith.addi %add3A_419, %add3A_444 : i32
    %dma_start3A_446 = arith.constant 384 : i32
    %dma_start3A_447 = tpu.memref_slice %arg7[%dma_start3A_446] : memref<2000xf32, #tpu.memory_space<vmem>> -> memref<128xf32, #tpu.memory_space<vmem>>
    %dma_start3A_448 = tpu.memref_slice %arg4[%add3A_445] : memref<57344xf32, #tpu.memory_space<hbm>> -> memref<128xf32, #tpu.memory_space<hbm>>
    %dma_start3A_449 = tpu.memref_slice %arg4[%add3A_445] : memref<57344xf32, #tpu.memory_space<hbm>> -> memref<128xf32, #tpu.memory_space<hbm>>
    %dma_start3A_450 = arith.constant 384 : i32
    %dma_start3A_451 = tpu.memref_slice %arg7[%dma_start3A_450] : memref<2000xf32, #tpu.memory_space<vmem>> -> memref<128xf32, #tpu.memory_space<vmem>>
    tpu.enqueue_dma source(%dma_start3A_451 : memref<128xf32, #tpu.memory_space<vmem>>) target(%dma_start3A_449 : memref<128xf32, #tpu.memory_space<hbm>>) target_semaphore(%arg10 : memref<!tpu.dma_semaphore, #tpu.memory_space<semaphore_mem>>)
    %add3A_452 = arith.constant 4096 : i32
    %add3A_453 = arith.addi %add3A_419, %add3A_452 : i32
    %dma_start3A_454 = arith.constant 512 : i32
    %dma_start3A_455 = tpu.memref_slice %arg7[%dma_start3A_454] : memref<2000xf32, #tpu.memory_space<vmem>> -> memref<128xf32, #tpu.memory_space<vmem>>
    %dma_start3A_456 = tpu.memref_slice %arg4[%add3A_453] : memref<57344xf32, #tpu.memory_space<hbm>> -> memref<128xf32, #tpu.memory_space<hbm>>
    %dma_start3A_457 = tpu.memref_slice %arg4[%add3A_453] : memref<57344xf32, #tpu.memory_space<hbm>> -> memref<128xf32, #tpu.memory_space<hbm>>
    %dma_start3A_458 = arith.constant 512 : i32
    %dma_start3A_459 = tpu.memref_slice %arg7[%dma_start3A_458] : memref<2000xf32, #tpu.memory_space<vmem>> -> memref<128xf32, #tpu.memory_space<vmem>>
    tpu.enqueue_dma source(%dma_start3A_459 : memref<128xf32, #tpu.memory_space<vmem>>) target(%dma_start3A_457 : memref<128xf32, #tpu.memory_space<hbm>>) target_semaphore(%arg10 : memref<!tpu.dma_semaphore, #tpu.memory_space<semaphore_mem>>)
    %add3A_460 = arith.constant 5120 : i32
    %add3A_461 = arith.addi %add3A_419, %add3A_460 : i32
    %dma_start3A_462 = arith.constant 640 : i32
    %dma_start3A_463 = tpu.memref_slice %arg7[%dma_start3A_462] : memref<2000xf32, #tpu.memory_space<vmem>> -> memref<128xf32, #tpu.memory_space<vmem>>
    %dma_start3A_464 = tpu.memref_slice %arg4[%add3A_461] : memref<57344xf32, #tpu.memory_space<hbm>> -> memref<128xf32, #tpu.memory_space<hbm>>
    %dma_start3A_465 = tpu.memref_slice %arg4[%add3A_461] : memref<57344xf32, #tpu.memory_space<hbm>> -> memref<128xf32, #tpu.memory_space<hbm>>
    %dma_start3A_466 = arith.constant 640 : i32
    %dma_start3A_467 = tpu.memref_slice %arg7[%dma_start3A_466] : memref<2000xf32, #tpu.memory_space<vmem>> -> memref<128xf32, #tpu.memory_space<vmem>>
    tpu.enqueue_dma source(%dma_start3A_467 : memref<128xf32, #tpu.memory_space<vmem>>) target(%dma_start3A_465 : memref<128xf32, #tpu.memory_space<hbm>>) target_semaphore(%arg10 : memref<!tpu.dma_semaphore, #tpu.memory_space<semaphore_mem>>)
    %add3A_468 = arith.constant 6144 : i32
    %add3A_469 = arith.addi %add3A_419, %add3A_468 : i32
    %dma_start3A_470 = arith.constant 768 : i32
    %dma_start3A_471 = tpu.memref_slice %arg7[%dma_start3A_470] : memref<2000xf32, #tpu.memory_space<vmem>> -> memref<128xf32, #tpu.memory_space<vmem>>
    %dma_start3A_472 = tpu.memref_slice %arg4[%add3A_469] : memref<57344xf32, #tpu.memory_space<hbm>> -> memref<128xf32, #tpu.memory_space<hbm>>
    %dma_start3A_473 = tpu.memref_slice %arg4[%add3A_469] : memref<57344xf32, #tpu.memory_space<hbm>> -> memref<128xf32, #tpu.memory_space<hbm>>
    %dma_start3A_474 = arith.constant 768 : i32
    %dma_start3A_475 = tpu.memref_slice %arg7[%dma_start3A_474] : memref<2000xf32, #tpu.memory_space<vmem>> -> memref<128xf32, #tpu.memory_space<vmem>>
    tpu.enqueue_dma source(%dma_start3A_475 : memref<128xf32, #tpu.memory_space<vmem>>) target(%dma_start3A_473 : memref<128xf32, #tpu.memory_space<hbm>>) target_semaphore(%arg10 : memref<!tpu.dma_semaphore, #tpu.memory_space<semaphore_mem>>)
    %add3A_476 = arith.constant 7168 : i32
    %add3A_477 = arith.addi %add3A_419, %add3A_476 : i32
    %dma_start3A_478 = arith.constant 896 : i32
    %dma_start3A_479 = tpu.memref_slice %arg7[%dma_start3A_478] : memref<2000xf32, #tpu.memory_space<vmem>> -> memref<104xf32, #tpu.memory_space<vmem>>
    %dma_start3A_480 = tpu.memref_slice %arg4[%add3A_477] : memref<57344xf32, #tpu.memory_space<hbm>> -> memref<104xf32, #tpu.memory_space<hbm>>
    %dma_start3A_481 = tpu.memref_slice %arg4[%add3A_477] : memref<57344xf32, #tpu.memory_space<hbm>> -> memref<104xf32, #tpu.memory_space<hbm>>
    %dma_start3A_482 = arith.constant 896 : i32
    %dma_start3A_483 = tpu.memref_slice %arg7[%dma_start3A_482] : memref<2000xf32, #tpu.memory_space<vmem>> -> memref<104xf32, #tpu.memory_space<vmem>>
    tpu.enqueue_dma source(%dma_start3A_483 : memref<104xf32, #tpu.memory_space<vmem>>) target(%dma_start3A_481 : memref<104xf32, #tpu.memory_space<hbm>>) target_semaphore(%arg10 : memref<!tpu.dma_semaphore, #tpu.memory_space<semaphore_mem>>)
    %dma_wait3A_484 = arith.constant 1000 : i32
    %dma_wait3A_485 = tpu.memref_slice %arg7[%dma_wait3A_484] : memref<2000xf32, #tpu.memory_space<vmem>> -> memref<128xf32, #tpu.memory_space<vmem>>
    %dma_wait3A_486 = arith.constant 1000 : i32
    %dma_wait3A_487 = tpu.memref_slice %arg6[%dma_wait3A_486] : memref<2000xi32, #tpu.memory_space<vmem>> -> memref<128xi32, #tpu.memory_space<vmem>>
    %dma_wait3A_488 = arith.constant 0 : i32
    %dma_wait3A_489 = tpu.memref_slice %arg2[%dma_wait3A_488] : memref<51200000xf32, #tpu.memory_space<hbm>> -> memref<51200000xf32, #tpu.memory_space<hbm>>
    tpu.wait_indirect_dma semaphore(%arg9 : memref<!tpu.dma_semaphore, #tpu.memory_space<semaphore_mem>>) src(%dma_wait3A_489 : memref<51200000xf32, #tpu.memory_space<hbm>>) dst(%dma_wait3A_485 : memref<128xf32, #tpu.memory_space<vmem>>)
    %dma_wait3A_490 = arith.constant 1128 : i32
    %dma_wait3A_491 = tpu.memref_slice %arg7[%dma_wait3A_490] : memref<2000xf32, #tpu.memory_space<vmem>> -> memref<128xf32, #tpu.memory_space<vmem>>
    %dma_wait3A_492 = arith.constant 1128 : i32
    %dma_wait3A_493 = tpu.memref_slice %arg6[%dma_wait3A_492] : memref<2000xi32, #tpu.memory_space<vmem>> -> memref<128xi32, #tpu.memory_space<vmem>>
    %dma_wait3A_494 = arith.constant 0 : i32
    %dma_wait3A_495 = tpu.memref_slice %arg2[%dma_wait3A_494] : memref<51200000xf32, #tpu.memory_space<hbm>> -> memref<51200000xf32, #tpu.memory_space<hbm>>
    tpu.wait_indirect_dma semaphore(%arg9 : memref<!tpu.dma_semaphore, #tpu.memory_space<semaphore_mem>>) src(%dma_wait3A_495 : memref<51200000xf32, #tpu.memory_space<hbm>>) dst(%dma_wait3A_491 : memref<128xf32, #tpu.memory_space<vmem>>)
    %dma_wait3A_496 = arith.constant 1256 : i32
    %dma_wait3A_497 = tpu.memref_slice %arg7[%dma_wait3A_496] : memref<2000xf32, #tpu.memory_space<vmem>> -> memref<128xf32, #tpu.memory_space<vmem>>
    %dma_wait3A_498 = arith.constant 1256 : i32
    %dma_wait3A_499 = tpu.memref_slice %arg6[%dma_wait3A_498] : memref<2000xi32, #tpu.memory_space<vmem>> -> memref<128xi32, #tpu.memory_space<vmem>>
    %dma_wait3A_500 = arith.constant 0 : i32
    %dma_wait3A_501 = tpu.memref_slice %arg2[%dma_wait3A_500] : memref<51200000xf32, #tpu.memory_space<hbm>> -> memref<51200000xf32, #tpu.memory_space<hbm>>
    tpu.wait_indirect_dma semaphore(%arg9 : memref<!tpu.dma_semaphore, #tpu.memory_space<semaphore_mem>>) src(%dma_wait3A_501 : memref<51200000xf32, #tpu.memory_space<hbm>>) dst(%dma_wait3A_497 : memref<128xf32, #tpu.memory_space<vmem>>)
    %dma_wait3A_502 = arith.constant 1384 : i32
    %dma_wait3A_503 = tpu.memref_slice %arg7[%dma_wait3A_502] : memref<2000xf32, #tpu.memory_space<vmem>> -> memref<128xf32, #tpu.memory_space<vmem>>
    %dma_wait3A_504 = arith.constant 1384 : i32
    %dma_wait3A_505 = tpu.memref_slice %arg6[%dma_wait3A_504] : memref<2000xi32, #tpu.memory_space<vmem>> -> memref<128xi32, #tpu.memory_space<vmem>>
    %dma_wait3A_506 = arith.constant 0 : i32
    %dma_wait3A_507 = tpu.memref_slice %arg2[%dma_wait3A_506] : memref<51200000xf32, #tpu.memory_space<hbm>> -> memref<51200000xf32, #tpu.memory_space<hbm>>
    tpu.wait_indirect_dma semaphore(%arg9 : memref<!tpu.dma_semaphore, #tpu.memory_space<semaphore_mem>>) src(%dma_wait3A_507 : memref<51200000xf32, #tpu.memory_space<hbm>>) dst(%dma_wait3A_503 : memref<128xf32, #tpu.memory_space<vmem>>)
    %dma_wait3A_508 = arith.constant 1512 : i32
    %dma_wait3A_509 = tpu.memref_slice %arg7[%dma_wait3A_508] : memref<2000xf32, #tpu.memory_space<vmem>> -> memref<128xf32, #tpu.memory_space<vmem>>
    %dma_wait3A_510 = arith.constant 1512 : i32
    %dma_wait3A_511 = tpu.memref_slice %arg6[%dma_wait3A_510] : memref<2000xi32, #tpu.memory_space<vmem>> -> memref<128xi32, #tpu.memory_space<vmem>>
    %dma_wait3A_512 = arith.constant 0 : i32
    %dma_wait3A_513 = tpu.memref_slice %arg2[%dma_wait3A_512] : memref<51200000xf32, #tpu.memory_space<hbm>> -> memref<51200000xf32, #tpu.memory_space<hbm>>
    tpu.wait_indirect_dma semaphore(%arg9 : memref<!tpu.dma_semaphore, #tpu.memory_space<semaphore_mem>>) src(%dma_wait3A_513 : memref<51200000xf32, #tpu.memory_space<hbm>>) dst(%dma_wait3A_509 : memref<128xf32, #tpu.memory_space<vmem>>)
    %dma_wait3A_514 = arith.constant 1640 : i32
    %dma_wait3A_515 = tpu.memref_slice %arg7[%dma_wait3A_514] : memref<2000xf32, #tpu.memory_space<vmem>> -> memref<128xf32, #tpu.memory_space<vmem>>
    %dma_wait3A_516 = arith.constant 1640 : i32
    %dma_wait3A_517 = tpu.memref_slice %arg6[%dma_wait3A_516] : memref<2000xi32, #tpu.memory_space<vmem>> -> memref<128xi32, #tpu.memory_space<vmem>>
    %dma_wait3A_518 = arith.constant 0 : i32
    %dma_wait3A_519 = tpu.memref_slice %arg2[%dma_wait3A_518] : memref<51200000xf32, #tpu.memory_space<hbm>> -> memref<51200000xf32, #tpu.memory_space<hbm>>
    tpu.wait_indirect_dma semaphore(%arg9 : memref<!tpu.dma_semaphore, #tpu.memory_space<semaphore_mem>>) src(%dma_wait3A_519 : memref<51200000xf32, #tpu.memory_space<hbm>>) dst(%dma_wait3A_515 : memref<128xf32, #tpu.memory_space<vmem>>)
    %dma_wait3A_520 = arith.constant 1768 : i32
    %dma_wait3A_521 = tpu.memref_slice %arg7[%dma_wait3A_520] : memref<2000xf32, #tpu.memory_space<vmem>> -> memref<128xf32, #tpu.memory_space<vmem>>
    %dma_wait3A_522 = arith.constant 1768 : i32
    %dma_wait3A_523 = tpu.memref_slice %arg6[%dma_wait3A_522] : memref<2000xi32, #tpu.memory_space<vmem>> -> memref<128xi32, #tpu.memory_space<vmem>>
    %dma_wait3A_524 = arith.constant 0 : i32
    %dma_wait3A_525 = tpu.memref_slice %arg2[%dma_wait3A_524] : memref<51200000xf32, #tpu.memory_space<hbm>> -> memref<51200000xf32, #tpu.memory_space<hbm>>
    tpu.wait_indirect_dma semaphore(%arg9 : memref<!tpu.dma_semaphore, #tpu.memory_space<semaphore_mem>>) src(%dma_wait3A_525 : memref<51200000xf32, #tpu.memory_space<hbm>>) dst(%dma_wait3A_521 : memref<128xf32, #tpu.memory_space<vmem>>)
    %dma_wait3A_526 = arith.constant 1896 : i32
    %dma_wait3A_527 = tpu.memref_slice %arg7[%dma_wait3A_526] : memref<2000xf32, #tpu.memory_space<vmem>> -> memref<104xf32, #tpu.memory_space<vmem>>
    %dma_wait3A_528 = arith.constant 1896 : i32
    %dma_wait3A_529 = tpu.memref_slice %arg6[%dma_wait3A_528] : memref<2000xi32, #tpu.memory_space<vmem>> -> memref<104xi32, #tpu.memory_space<vmem>>
    %dma_wait3A_530 = arith.constant 0 : i32
    %dma_wait3A_531 = tpu.memref_slice %arg2[%dma_wait3A_530] : memref<51200000xf32, #tpu.memory_space<hbm>> -> memref<51200000xf32, #tpu.memory_space<hbm>>
    tpu.wait_indirect_dma semaphore(%arg9 : memref<!tpu.dma_semaphore, #tpu.memory_space<semaphore_mem>>) src(%dma_wait3A_531 : memref<51200000xf32, #tpu.memory_space<hbm>>) dst(%dma_wait3A_527 : memref<104xf32, #tpu.memory_space<vmem>>)
    %broadcast_in_dim3A_532 = arith.constant 0.000000e+00 : f32
    %broadcast_in_dim3A_533 = vector.broadcast %broadcast_in_dim3A_532 : f32 to vector<16xf32>
    %scan3A_534 = arith.constant 0 : i32
    %scan3A_535 = arith.constant 60 : i32
    %scan3A_536 = arith.addi %scan3A_534, %scan3A_535 : i32
    %scan3A_537 = arith.constant 4 : i32
    %scan3A_538 = scf.for %scan3A_802 = %scan3A_534 to %scan3A_536 step %scan3A_537 iter_args(%scan3A_803 = %broadcast_in_dim3A_533) -> (vector<16xf32>)  : i32 {
      %mul3A_804 = arith.constant 16 : i32
      %mul3A_805 = arith.muli %scan3A_802, %mul3A_804 : i32
      %add3A_806 = arith.constant 1000 : i32
      %add3A_807 = arith.addi %add3A_806, %mul3A_805 : i32
      %get3A_808 = arith.index_cast %add3A_807 : i32 to index
      %get3A_809 = tpu.vector_load %arg7[%get3A_808] {strides = array<i32>} : memref<2000xf32, #tpu.memory_space<vmem>>, vector<16xf32>,
      %get3A_810 = vector.shape_cast %get3A_809 : vector<16xf32> to vector<16xf32>
      %exp3A_811 = math.exp %get3A_810 : vector<16xf32>
      %add3A_812 = arith.addf %scan3A_803, %exp3A_811 : vector<16xf32>
      %scan3A_813 = arith.constant 1 : i32
      %scan3A_814 = arith.addi %scan3A_802, %scan3A_813 : i32
      %mul3A_815 = arith.constant 16 : i32
      %mul3A_816 = arith.muli %scan3A_814, %mul3A_815 : i32
      %add3A_817 = arith.constant 1000 : i32
      %add3A_818 = arith.addi %add3A_817, %mul3A_816 : i32
      %get3A_819 = arith.index_cast %add3A_818 : i32 to index
      %get3A_820 = tpu.vector_load %arg7[%get3A_819] {strides = array<i32>} : memref<2000xf32, #tpu.memory_space<vmem>>, vector<16xf32>,
      %get3A_821 = vector.shape_cast %get3A_820 : vector<16xf32> to vector<16xf32>
      %exp3A_822 = math.exp %get3A_821 : vector<16xf32>
      %add3A_823 = arith.addf %add3A_812, %exp3A_822 : vector<16xf32>
      %scan3A_824 = arith.constant 2 : i32
      %scan3A_825 = arith.addi %scan3A_802, %scan3A_824 : i32
      %mul3A_826 = arith.constant 16 : i32
      %mul3A_827 = arith.muli %scan3A_825, %mul3A_826 : i32
      %add3A_828 = arith.constant 1000 : i32
      %add3A_829 = arith.addi %add3A_828, %mul3A_827 : i32
      %get3A_830 = arith.index_cast %add3A_829 : i32 to index
      %get3A_831 = tpu.vector_load %arg7[%get3A_830] {strides = array<i32>} : memref<2000xf32, #tpu.memory_space<vmem>>, vector<16xf32>,
      %get3A_832 = vector.shape_cast %get3A_831 : vector<16xf32> to vector<16xf32>
      %exp3A_833 = math.exp %get3A_832 : vector<16xf32>
      %add3A_834 = arith.addf %add3A_823, %exp3A_833 : vector<16xf32>
      %scan3A_835 = arith.constant 3 : i32
      %scan3A_836 = arith.addi %scan3A_802, %scan3A_835 : i32
      %mul3A_837 = arith.constant 16 : i32
      %mul3A_838 = arith.muli %scan3A_836, %mul3A_837 : i32
      %add3A_839 = arith.constant 1000 : i32
      %add3A_840 = arith.addi %add3A_839, %mul3A_838 : i32
      %get3A_841 = arith.index_cast %add3A_840 : i32 to index
      %get3A_842 = tpu.vector_load %arg7[%get3A_841] {strides = array<i32>} : memref<2000xf32, #tpu.memory_space<vmem>>, vector<16xf32>,
      %get3A_843 = vector.shape_cast %get3A_842 : vector<16xf32> to vector<16xf32>
      %exp3A_844 = math.exp %get3A_843 : vector<16xf32>
      %add3A_845 = arith.addf %add3A_834, %exp3A_844 : vector<16xf32>
      scf.yield %add3A_845 : vector<16xf32>
    }
    %scan3A_539 = arith.constant 60 : i32
    %scan3A_540 = arith.addi %scan3A_534, %scan3A_539 : i32
    %mul3A_541 = arith.constant 16 : i32
    %mul3A_542 = arith.muli %scan3A_540, %mul3A_541 : i32
    %add3A_543 = arith.constant 1000 : i32
    %add3A_544 = arith.addi %add3A_543, %mul3A_542 : i32
    %get3A_545 = arith.index_cast %add3A_544 : i32 to index
    %get3A_546 = tpu.vector_load %arg7[%get3A_545] {strides = array<i32>} : memref<2000xf32, #tpu.memory_space<vmem>>, vector<16xf32>,
    %get3A_547 = vector.shape_cast %get3A_546 : vector<16xf32> to vector<16xf32>
    %exp3A_548 = math.exp %get3A_547 : vector<16xf32>
    %add3A_549 = arith.addf %scan3A_538, %exp3A_548 : vector<16xf32>
    %scan3A_550 = arith.constant 61 : i32
    %scan3A_551 = arith.addi %scan3A_534, %scan3A_550 : i32
    %mul3A_552 = arith.constant 16 : i32
    %mul3A_553 = arith.muli %scan3A_551, %mul3A_552 : i32
    %add3A_554 = arith.constant 1000 : i32
    %add3A_555 = arith.addi %add3A_554, %mul3A_553 : i32
    %get3A_556 = arith.index_cast %add3A_555 : i32 to index
    %get3A_557 = tpu.vector_load %arg7[%get3A_556] {strides = array<i32>} : memref<2000xf32, #tpu.memory_space<vmem>>, vector<16xf32>,
    %get3A_558 = vector.shape_cast %get3A_557 : vector<16xf32> to vector<16xf32>
    %exp3A_559 = math.exp %get3A_558 : vector<16xf32>
    %add3A_560 = arith.addf %add3A_549, %exp3A_559 : vector<16xf32>
    %scan3A_561 = arith.constant 62 : i32
    %get3A_562 = arith.constant 1984 : index
    %get3A_563 = tpu.vector_load %arg7[%get3A_562] {strides = array<i32>} : memref<2000xf32, #tpu.memory_space<vmem>>, vector<16xf32>,
    %get3A_564 = vector.shape_cast %get3A_563 : vector<16xf32> to vector<16xf32>
    %exp3A_565 = math.exp %get3A_564 : vector<16xf32>
    %iota3A_566 = tpu.iota {dimensions = array<i32: 0>} : vector<16xi32>
    %ge3A_567 = arith.constant 8 : i32
    %ge3A_568 = vector.broadcast %ge3A_567 : i32 to vector<16xi32>
    %ge3A_569 = arith.cmpi sge, %iota3A_566, %ge3A_568 : vector<16xi32>
    %jit3A_570 = arith.constant 0.000000e+00 : f32
    %broadcast_in_dim3A_571 = vector.broadcast %jit3A_570 : f32 to vector<16xf32>
    %select_n3A_572 = arith.select %ge3A_569, %exp3A_565, %broadcast_in_dim3A_571 : vector<16xi1>, vector<16xf32>
    %add3A_573 = arith.addf %add3A_560, %select_n3A_572 : vector<16xf32>
    %iota3A_574 = tpu.iota {dimensions = array<i32: 0>} : vector<16xi32>
    %xor3A_575 = arith.constant 1 : i32
    %xor3A_576 = vector.broadcast %xor3A_575 : i32 to vector<16xi32>
    %xor3A_577 = arith.xori %iota3A_574, %xor3A_576 : vector<16xi32>
    %lt3A_578 = arith.constant 0 : i32
    %lt3A_579 = vector.broadcast %lt3A_578 : i32 to vector<16xi32>
    %lt3A_580 = arith.cmpi slt, %xor3A_577, %lt3A_579 : vector<16xi32>
    %add3A_581 = arith.constant 16 : i32
    %add3A_582 = vector.broadcast %add3A_581 : i32 to vector<16xi32>
    %add3A_583 = arith.addi %xor3A_577, %add3A_582 : vector<16xi32>
    %select_n3A_584 = arith.select %lt3A_580, %add3A_583, %xor3A_577 : vector<16xi1>, vector<16xi32>
    %broadcast_in_dim3A_585 = vector.shape_cast %select_n3A_584 : vector<16xi32> to vector<16x1xi32>
    %gather3A_586 = vector.shape_cast %broadcast_in_dim3A_585 : vector<16x1xi32> to vector<16xi32>
    %gather3A_587 = tpu.dynamic_gather %add3A_573[%gather3A_586] in [0] : vector<16xf32>, vector<16xi32> -> vector<16xf32>
    %add3A_588 = arith.addf %add3A_573, %gather3A_587 : vector<16xf32>
    %xor3A_589 = arith.constant 2 : i32
    %xor3A_590 = vector.broadcast %xor3A_589 : i32 to vector<16xi32>
    %xor3A_591 = arith.xori %iota3A_574, %xor3A_590 : vector<16xi32>
    %lt3A_592 = arith.constant 0 : i32
    %lt3A_593 = vector.broadcast %lt3A_592 : i32 to vector<16xi32>
    %lt3A_594 = arith.cmpi slt, %xor3A_591, %lt3A_593 : vector<16xi32>
    %add3A_595 = arith.constant 16 : i32
    %add3A_596 = vector.broadcast %add3A_595 : i32 to vector<16xi32>
    %add3A_597 = arith.addi %xor3A_591, %add3A_596 : vector<16xi32>
    %select_n3A_598 = arith.select %lt3A_594, %add3A_597, %xor3A_591 : vector<16xi1>, vector<16xi32>
    %broadcast_in_dim3A_599 = vector.shape_cast %select_n3A_598 : vector<16xi32> to vector<16x1xi32>
    %gather3A_600 = vector.shape_cast %broadcast_in_dim3A_599 : vector<16x1xi32> to vector<16xi32>
    %gather3A_601 = tpu.dynamic_gather %add3A_588[%gather3A_600] in [0] : vector<16xf32>, vector<16xi32> -> vector<16xf32>
    %add3A_602 = arith.addf %add3A_588, %gather3A_601 : vector<16xf32>
    %xor3A_603 = arith.constant 4 : i32
    %xor3A_604 = vector.broadcast %xor3A_603 : i32 to vector<16xi32>
    %xor3A_605 = arith.xori %iota3A_574, %xor3A_604 : vector<16xi32>
    %lt3A_606 = arith.constant 0 : i32
    %lt3A_607 = vector.broadcast %lt3A_606 : i32 to vector<16xi32>
    %lt3A_608 = arith.cmpi slt, %xor3A_605, %lt3A_607 : vector<16xi32>
    %add3A_609 = arith.constant 16 : i32
    %add3A_610 = vector.broadcast %add3A_609 : i32 to vector<16xi32>
    %add3A_611 = arith.addi %xor3A_605, %add3A_610 : vector<16xi32>
    %select_n3A_612 = arith.select %lt3A_608, %add3A_611, %xor3A_605 : vector<16xi1>, vector<16xi32>
    %broadcast_in_dim3A_613 = vector.shape_cast %select_n3A_612 : vector<16xi32> to vector<16x1xi32>
    %gather3A_614 = vector.shape_cast %broadcast_in_dim3A_613 : vector<16x1xi32> to vector<16xi32>
    %gather3A_615 = tpu.dynamic_gather %add3A_602[%gather3A_614] in [0] : vector<16xf32>, vector<16xi32> -> vector<16xf32>
    %add3A_616 = arith.addf %add3A_602, %gather3A_615 : vector<16xf32>
    %xor3A_617 = arith.constant 8 : i32
    %xor3A_618 = vector.broadcast %xor3A_617 : i32 to vector<16xi32>
    %xor3A_619 = arith.xori %iota3A_574, %xor3A_618 : vector<16xi32>
    %lt3A_620 = arith.constant 0 : i32
    %lt3A_621 = vector.broadcast %lt3A_620 : i32 to vector<16xi32>
    %lt3A_622 = arith.cmpi slt, %xor3A_619, %lt3A_621 : vector<16xi32>
    %add3A_623 = arith.constant 16 : i32
    %add3A_624 = vector.broadcast %add3A_623 : i32 to vector<16xi32>
    %add3A_625 = arith.addi %xor3A_619, %add3A_624 : vector<16xi32>
    %select_n3A_626 = arith.select %lt3A_622, %add3A_625, %xor3A_619 : vector<16xi1>, vector<16xi32>
    %broadcast_in_dim3A_627 = vector.shape_cast %select_n3A_626 : vector<16xi32> to vector<16x1xi32>
    %gather3A_628 = vector.shape_cast %broadcast_in_dim3A_627 : vector<16x1xi32> to vector<16xi32>
    %gather3A_629 = tpu.dynamic_gather %add3A_616[%gather3A_628] in [0] : vector<16xf32>, vector<16xi32> -> vector<16xf32>
    %add3A_630 = arith.addf %add3A_616, %gather3A_629 : vector<16xf32>
    %bitcast_convert_type3A_631 = tpu.bitcast %add3A_630 : vector<16xf32> -> vector<16xi32>
    %shift_right_arithmetic3A_632 = arith.constant 23 : i32
    %shift_right_arithmetic3A_633 = vector.broadcast %shift_right_arithmetic3A_632 : i32 to vector<16xi32>
    %shift_right_arithmetic3A_634 = arith.shrsi %bitcast_convert_type3A_631, %shift_right_arithmetic3A_633 : vector<16xi32>
    %sub3A_635 = arith.constant 126 : i32
    %sub3A_636 = vector.broadcast %sub3A_635 : i32 to vector<16xi32>
    %sub3A_637 = arith.subi %shift_right_arithmetic3A_634, %sub3A_636 : vector<16xi32>
    %and3A_638 = arith.constant 8388607 : i32
    %and3A_639 = vector.broadcast %and3A_638 : i32 to vector<16xi32>
    %and3A_640 = arith.andi %bitcast_convert_type3A_631, %and3A_639 : vector<16xi32>
    %or3A_641 = arith.constant 1056964608 : i32
    %or3A_642 = vector.broadcast %or3A_641 : i32 to vector<16xi32>
    %or3A_643 = arith.ori %and3A_640, %or3A_642 : vector<16xi32>
    %bitcast_convert_type3A_644 = tpu.bitcast %or3A_643 : vector<16xi32> -> vector<16xf32>
    %lt3A_645 = arith.constant 0.707106769 : f32
    %lt3A_646 = vector.broadcast %lt3A_645 : f32 to vector<16xf32>
    %lt3A_647 = arith.cmpf olt, %bitcast_convert_type3A_644, %lt3A_646 : vector<16xf32>
    %sub3A_648 = arith.constant 1 : i32
    %sub3A_649 = vector.broadcast %sub3A_648 : i32 to vector<16xi32>
    %sub3A_650 = arith.subi %sub3A_637, %sub3A_649 : vector<16xi32>
    %select_n3A_651 = arith.select %lt3A_647, %sub3A_650, %sub3A_637 : vector<16xi1>, vector<16xi32>
    %convert_element_type3A_652 = arith.sitofp %select_n3A_651 : vector<16xi32> to vector<16xf32>
    %add3A_653 = arith.addf %bitcast_convert_type3A_644, %bitcast_convert_type3A_644 : vector<16xf32>
    %select_n3A_654 = arith.select %lt3A_647, %add3A_653, %bitcast_convert_type3A_644 : vector<16xi1>, vector<16xf32>
    %sub3A_655 = arith.constant 1.000000e+00 : f32
    %sub3A_656 = vector.broadcast %sub3A_655 : f32 to vector<16xf32>
    %sub3A_657 = arith.subf %select_n3A_654, %sub3A_656 : vector<16xf32>
    %mul3A_658 = arith.mulf %sub3A_657, %sub3A_657 : vector<16xf32>
    %broadcast_in_dim3A_659 = arith.constant 0.124839589 : f32
    %broadcast_in_dim3A_660 = vector.broadcast %broadcast_in_dim3A_659 : f32 to vector<16xf32>
    %mul3A_661 = arith.mulf %broadcast_in_dim3A_660, %sub3A_657 : vector<16xf32>
    %add3A_662 = arith.constant -0.180305406 : f32
    %add3A_663 = vector.broadcast %add3A_662 : f32 to vector<16xf32>
    %add3A_664 = arith.addf %mul3A_661, %add3A_663 : vector<16xf32>
    %mul3A_665 = arith.mulf %add3A_664, %sub3A_657 : vector<16xf32>
    %add3A_666 = arith.constant 0.201999024 : f32
    %add3A_667 = vector.broadcast %add3A_666 : f32 to vector<16xf32>
    %add3A_668 = arith.addf %mul3A_665, %add3A_667 : vector<16xf32>
    %mul3A_669 = arith.mulf %add3A_668, %sub3A_657 : vector<16xf32>
    %add3A_670 = arith.constant -0.249701336 : f32
    %add3A_671 = vector.broadcast %add3A_670 : f32 to vector<16xf32>
    %add3A_672 = arith.addf %mul3A_669, %add3A_671 : vector<16xf32>
    %mul3A_673 = arith.mulf %add3A_672, %sub3A_657 : vector<16xf32>
    %add3A_674 = arith.constant 0.333314806 : f32
    %add3A_675 = vector.broadcast %add3A_674 : f32 to vector<16xf32>
    %add3A_676 = arith.addf %mul3A_673, %add3A_675 : vector<16xf32>
    %mul3A_677 = arith.mulf %sub3A_657, %mul3A_658 : vector<16xf32>
    %mul3A_678 = arith.mulf %mul3A_677, %add3A_676 : vector<16xf32>
    %mul3A_679 = arith.constant -2.12194442E-4 : f32
    %mul3A_680 = vector.broadcast %mul3A_679 : f32 to vector<16xf32>
    %mul3A_681 = arith.mulf %convert_element_type3A_652, %mul3A_680 : vector<16xf32>
    %add3A_682 = arith.addf %mul3A_678, %mul3A_681 : vector<16xf32>
    %mul3A_683 = arith.constant 5.000000e-01 : f32
    %mul3A_684 = vector.broadcast %mul3A_683 : f32 to vector<16xf32>
    %mul3A_685 = arith.mulf %mul3A_684, %mul3A_658 : vector<16xf32>
    %sub3A_686 = arith.subf %add3A_682, %mul3A_685 : vector<16xf32>
    %add3A_687 = arith.addf %sub3A_657, %sub3A_686 : vector<16xf32>
    %mul3A_688 = arith.constant 0.693359375 : f32
    %mul3A_689 = vector.broadcast %mul3A_688 : f32 to vector<16xf32>
    %mul3A_690 = arith.mulf %convert_element_type3A_652, %mul3A_689 : vector<16xf32>
    %add3A_691 = arith.addf %add3A_687, %mul3A_690 : vector<16xf32>
    %scan3A_692 = arith.constant 0 : i32
    %scan3A_693 = arith.constant 0 : i32
    %scan3A_694 = arith.constant 60 : i32
    %scan3A_695 = arith.addi %scan3A_693, %scan3A_694 : i32
    %scan3A_696 = arith.constant 4 : i32
    scf.for %scan3A_802 = %scan3A_693 to %scan3A_695 step %scan3A_696  : i32 {
      %mul3A_803 = arith.constant 16 : i32
      %mul3A_804 = arith.muli %scan3A_802, %mul3A_803 : i32
      %add3A_805 = arith.constant 1000 : i32
      %add3A_806 = arith.addi %add3A_805, %mul3A_804 : i32
      %get3A_807 = arith.index_cast %add3A_806 : i32 to index
      %get3A_808 = tpu.vector_load %arg7[%get3A_807] {strides = array<i32>} : memref<2000xf32, #tpu.memory_space<vmem>>, vector<16xf32>,
      %get3A_809 = vector.shape_cast %get3A_808 : vector<16xf32> to vector<16xf32>
      %sub3A_810 = arith.subf %get3A_809, %add3A_691 : vector<16xf32>
      %mul3A_811 = arith.constant 16 : i32
      %mul3A_812 = arith.muli %scan3A_802, %mul3A_811 : i32
      %add3A_813 = arith.constant 1000 : i32
      %add3A_814 = arith.addi %add3A_813, %mul3A_812 : i32
      %swap3A_815 = arith.index_cast %add3A_814 : i32 to index
      %swap3A_816 = tpu.vector_load %arg7[%swap3A_815] {strides = array<i32>} : memref<2000xf32, #tpu.memory_space<vmem>>, vector<16xf32>,
      %swap3A_817 = vector.shape_cast %swap3A_816 : vector<16xf32> to vector<16xf32>
      %swap3A_818 = vector.shape_cast %sub3A_810 : vector<16xf32> to vector<16xf32>
      tpu.vector_store %arg7[%swap3A_815], %swap3A_818 {strides = array<i32>} : memref<2000xf32, #tpu.memory_space<vmem>>, vector<16xf32>,
      %scan3A_819 = arith.constant 1 : i32
      %scan3A_820 = arith.addi %scan3A_802, %scan3A_819 : i32
      %mul3A_821 = arith.constant 16 : i32
      %mul3A_822 = arith.muli %scan3A_820, %mul3A_821 : i32
      %add3A_823 = arith.constant 1000 : i32
      %add3A_824 = arith.addi %add3A_823, %mul3A_822 : i32
      %get3A_825 = arith.index_cast %add3A_824 : i32 to index
      %get3A_826 = tpu.vector_load %arg7[%get3A_825] {strides = array<i32>} : memref<2000xf32, #tpu.memory_space<vmem>>, vector<16xf32>,
      %get3A_827 = vector.shape_cast %get3A_826 : vector<16xf32> to vector<16xf32>
      %sub3A_828 = arith.subf %get3A_827, %add3A_691 : vector<16xf32>
      %mul3A_829 = arith.constant 16 : i32
      %mul3A_830 = arith.muli %scan3A_820, %mul3A_829 : i32
      %add3A_831 = arith.constant 1000 : i32
      %add3A_832 = arith.addi %add3A_831, %mul3A_830 : i32
      %swap3A_833 = arith.index_cast %add3A_832 : i32 to index
      %swap3A_834 = tpu.vector_load %arg7[%swap3A_833] {strides = array<i32>} : memref<2000xf32, #tpu.memory_space<vmem>>, vector<16xf32>,
      %swap3A_835 = vector.shape_cast %swap3A_834 : vector<16xf32> to vector<16xf32>
      %swap3A_836 = vector.shape_cast %sub3A_828 : vector<16xf32> to vector<16xf32>
      tpu.vector_store %arg7[%swap3A_833], %swap3A_836 {strides = array<i32>} : memref<2000xf32, #tpu.memory_space<vmem>>, vector<16xf32>,
      %scan3A_837 = arith.constant 2 : i32
      %scan3A_838 = arith.addi %scan3A_802, %scan3A_837 : i32
      %mul3A_839 = arith.constant 16 : i32
      %mul3A_840 = arith.muli %scan3A_838, %mul3A_839 : i32
      %add3A_841 = arith.constant 1000 : i32
      %add3A_842 = arith.addi %add3A_841, %mul3A_840 : i32
      %get3A_843 = arith.index_cast %add3A_842 : i32 to index
      %get3A_844 = tpu.vector_load %arg7[%get3A_843] {strides = array<i32>} : memref<2000xf32, #tpu.memory_space<vmem>>, vector<16xf32>,
      %get3A_845 = vector.shape_cast %get3A_844 : vector<16xf32> to vector<16xf32>
      %sub3A_846 = arith.subf %get3A_845, %add3A_691 : vector<16xf32>
      %mul3A_847 = arith.constant 16 : i32
      %mul3A_848 = arith.muli %scan3A_838, %mul3A_847 : i32
      %add3A_849 = arith.constant 1000 : i32
      %add3A_850 = arith.addi %add3A_849, %mul3A_848 : i32
      %swap3A_851 = arith.index_cast %add3A_850 : i32 to index
      %swap3A_852 = tpu.vector_load %arg7[%swap3A_851] {strides = array<i32>} : memref<2000xf32, #tpu.memory_space<vmem>>, vector<16xf32>,
      %swap3A_853 = vector.shape_cast %swap3A_852 : vector<16xf32> to vector<16xf32>
      %swap3A_854 = vector.shape_cast %sub3A_846 : vector<16xf32> to vector<16xf32>
      tpu.vector_store %arg7[%swap3A_851], %swap3A_854 {strides = array<i32>} : memref<2000xf32, #tpu.memory_space<vmem>>, vector<16xf32>,
      %scan3A_855 = arith.constant 3 : i32
      %scan3A_856 = arith.addi %scan3A_802, %scan3A_855 : i32
      %mul3A_857 = arith.constant 16 : i32
      %mul3A_858 = arith.muli %scan3A_856, %mul3A_857 : i32
      %add3A_859 = arith.constant 1000 : i32
      %add3A_860 = arith.addi %add3A_859, %mul3A_858 : i32
      %get3A_861 = arith.index_cast %add3A_860 : i32 to index
      %get3A_862 = tpu.vector_load %arg7[%get3A_861] {strides = array<i32>} : memref<2000xf32, #tpu.memory_space<vmem>>, vector<16xf32>,
      %get3A_863 = vector.shape_cast %get3A_862 : vector<16xf32> to vector<16xf32>
      %sub3A_864 = arith.subf %get3A_863, %add3A_691 : vector<16xf32>
      %mul3A_865 = arith.constant 16 : i32
      %mul3A_866 = arith.muli %scan3A_856, %mul3A_865 : i32
      %add3A_867 = arith.constant 1000 : i32
      %add3A_868 = arith.addi %add3A_867, %mul3A_866 : i32
      %swap3A_869 = arith.index_cast %add3A_868 : i32 to index
      %swap3A_870 = tpu.vector_load %arg7[%swap3A_869] {strides = array<i32>} : memref<2000xf32, #tpu.memory_space<vmem>>, vector<16xf32>,
      %swap3A_871 = vector.shape_cast %swap3A_870 : vector<16xf32> to vector<16xf32>
      %swap3A_872 = vector.shape_cast %sub3A_864 : vector<16xf32> to vector<16xf32>
      tpu.vector_store %arg7[%swap3A_869], %swap3A_872 {strides = array<i32>} : memref<2000xf32, #tpu.memory_space<vmem>>, vector<16xf32>,
    }
    %scan3A_697 = arith.constant 60 : i32
    %scan3A_698 = arith.addi %scan3A_693, %scan3A_697 : i32
    %mul3A_699 = arith.constant 16 : i32
    %mul3A_700 = arith.muli %scan3A_698, %mul3A_699 : i32
    %add3A_701 = arith.constant 1000 : i32
    %add3A_702 = arith.addi %add3A_701, %mul3A_700 : i32
    %get3A_703 = arith.index_cast %add3A_702 : i32 to index
    %get3A_704 = tpu.vector_load %arg7[%get3A_703] {strides = array<i32>} : memref<2000xf32, #tpu.memory_space<vmem>>, vector<16xf32>,
    %get3A_705 = vector.shape_cast %get3A_704 : vector<16xf32> to vector<16xf32>
    %sub3A_706 = arith.subf %get3A_705, %add3A_691 : vector<16xf32>
    %mul3A_707 = arith.constant 16 : i32
    %mul3A_708 = arith.muli %scan3A_698, %mul3A_707 : i32
    %add3A_709 = arith.constant 1000 : i32
    %add3A_710 = arith.addi %add3A_709, %mul3A_708 : i32
    %swap3A_711 = arith.index_cast %add3A_710 : i32 to index
    %swap3A_712 = tpu.vector_load %arg7[%swap3A_711] {strides = array<i32>} : memref<2000xf32, #tpu.memory_space<vmem>>, vector<16xf32>,
    %swap3A_713 = vector.shape_cast %swap3A_712 : vector<16xf32> to vector<16xf32>
    %swap3A_714 = vector.shape_cast %sub3A_706 : vector<16xf32> to vector<16xf32>
    tpu.vector_store %arg7[%swap3A_711], %swap3A_714 {strides = array<i32>} : memref<2000xf32, #tpu.memory_space<vmem>>, vector<16xf32>,
    %scan3A_715 = arith.constant 61 : i32
    %scan3A_716 = arith.addi %scan3A_693, %scan3A_715 : i32
    %mul3A_717 = arith.constant 16 : i32
    %mul3A_718 = arith.muli %scan3A_716, %mul3A_717 : i32
    %add3A_719 = arith.constant 1000 : i32
    %add3A_720 = arith.addi %add3A_719, %mul3A_718 : i32
    %get3A_721 = arith.index_cast %add3A_720 : i32 to index
    %get3A_722 = tpu.vector_load %arg7[%get3A_721] {strides = array<i32>} : memref<2000xf32, #tpu.memory_space<vmem>>, vector<16xf32>,
    %get3A_723 = vector.shape_cast %get3A_722 : vector<16xf32> to vector<16xf32>
    %sub3A_724 = arith.subf %get3A_723, %add3A_691 : vector<16xf32>
    %mul3A_725 = arith.constant 16 : i32
    %mul3A_726 = arith.muli %scan3A_716, %mul3A_725 : i32
    %add3A_727 = arith.constant 1000 : i32
    %add3A_728 = arith.addi %add3A_727, %mul3A_726 : i32
    %swap3A_729 = arith.index_cast %add3A_728 : i32 to index
    %swap3A_730 = tpu.vector_load %arg7[%swap3A_729] {strides = array<i32>} : memref<2000xf32, #tpu.memory_space<vmem>>, vector<16xf32>,
    %swap3A_731 = vector.shape_cast %swap3A_730 : vector<16xf32> to vector<16xf32>
    %swap3A_732 = vector.shape_cast %sub3A_724 : vector<16xf32> to vector<16xf32>
    tpu.vector_store %arg7[%swap3A_729], %swap3A_732 {strides = array<i32>} : memref<2000xf32, #tpu.memory_space<vmem>>, vector<16xf32>,
    %scan3A_733 = arith.constant 62 : i32
    %get3A_734 = arith.constant 1984 : index
    %get3A_735 = tpu.vector_load %arg7[%get3A_734] {strides = array<i32>} : memref<2000xf32, #tpu.memory_space<vmem>>, vector<16xf32>,
    %get3A_736 = vector.shape_cast %get3A_735 : vector<16xf32> to vector<16xf32>
    %ge3A_737 = arith.constant 8 : i32
    %ge3A_738 = vector.broadcast %ge3A_737 : i32 to vector<16xi32>
    %ge3A_739 = arith.cmpi sge, %iota3A_566, %ge3A_738 : vector<16xi32>
    %jit3A_740 = arith.constant 0.000000e+00 : f32
    %broadcast_in_dim3A_741 = vector.broadcast %jit3A_740 : f32 to vector<16xf32>
    %select_n3A_742 = arith.select %ge3A_739, %add3A_691, %broadcast_in_dim3A_741 : vector<16xi1>, vector<16xf32>
    %sub3A_743 = arith.subf %get3A_736, %select_n3A_742 : vector<16xf32>
    %swap3A_744 = arith.constant 1984 : index
    %swap3A_745 = tpu.vector_load %arg7[%swap3A_744] {strides = array<i32>} : memref<2000xf32, #tpu.memory_space<vmem>>, vector<16xf32>,
    %swap3A_746 = vector.shape_cast %swap3A_745 : vector<16xf32> to vector<16xf32>
    %swap3A_747 = vector.shape_cast %sub3A_743 : vector<16xf32> to vector<16xf32>
    tpu.vector_store %arg7[%swap3A_744], %swap3A_747 {strides = array<i32>} : memref<2000xf32, #tpu.memory_space<vmem>>, vector<16xf32>,
    %add3A_748 = arith.constant 32 : i32
    %add3A_749 = arith.addi %add3A, %add3A_748 : i32
    %lt3A_750 = arith.constant 50 : i32
    %lt3A_751 = arith.cmpi slt, %add3A_749, %lt3A_750 : i32
    %convert_element_type3A_752 = arith.extui %lt3A_751 : i1 to i32
    %cond3A = arith.constant 0 : i32
    %cond3A_753 = arith.cmpi ne, %convert_element_type3A_752, %cond3A : i32
    scf.if %cond3A_753 {
      %shift_right_arithmetic3A_802 = arith.constant 3 : i32
      %shift_right_arithmetic3A_803 = arith.shrsi %select_n3A_27, %shift_right_arithmetic3A_802 : i32
      %mul3A_804 = arith.constant 8192 : i32
      %mul3A_805 = arith.muli %shift_right_arithmetic3A_803, %mul3A_804 : i32
      %and3A_806 = arith.constant 7 : i32
      %and3A_807 = arith.andi %select_n3A_27, %and3A_806 : i32
      %mul3A_808 = arith.constant 128 : i32
      %mul3A_809 = arith.muli %and3A_807, %mul3A_808 : i32
      %add3A_810 = arith.addi %mul3A_805, %mul3A_809 : i32
      %add3A_811 = arith.constant 0 : i32
      %add3A_812 = arith.addi %add3A_810, %add3A_811 : i32
      %dma_start3A_813 = arith.constant 1000 : i32
      %dma_start3A_814 = tpu.memref_slice %arg7[%dma_start3A_813] : memref<2000xf32, #tpu.memory_space<vmem>> -> memref<128xf32, #tpu.memory_space<vmem>>
      %dma_start3A_815 = tpu.memref_slice %arg4[%add3A_812] : memref<57344xf32, #tpu.memory_space<hbm>> -> memref<128xf32, #tpu.memory_space<hbm>>
      %dma_start3A_816 = tpu.memref_slice %arg4[%add3A_812] : memref<57344xf32, #tpu.memory_space<hbm>> -> memref<128xf32, #tpu.memory_space<hbm>>
      %dma_start3A_817 = arith.constant 1000 : i32
      %dma_start3A_818 = tpu.memref_slice %arg7[%dma_start3A_817] : memref<2000xf32, #tpu.memory_space<vmem>> -> memref<128xf32, #tpu.memory_space<vmem>>
      tpu.enqueue_dma source(%dma_start3A_818 : memref<128xf32, #tpu.memory_space<vmem>>) target(%dma_start3A_816 : memref<128xf32, #tpu.memory_space<hbm>>) target_semaphore(%arg10 : memref<!tpu.dma_semaphore, #tpu.memory_space<semaphore_mem>>)
      %add3A_819 = arith.constant 1024 : i32
      %add3A_820 = arith.addi %add3A_810, %add3A_819 : i32
      %dma_start3A_821 = arith.constant 1128 : i32
      %dma_start3A_822 = tpu.memref_slice %arg7[%dma_start3A_821] : memref<2000xf32, #tpu.memory_space<vmem>> -> memref<128xf32, #tpu.memory_space<vmem>>
      %dma_start3A_823 = tpu.memref_slice %arg4[%add3A_820] : memref<57344xf32, #tpu.memory_space<hbm>> -> memref<128xf32, #tpu.memory_space<hbm>>
      %dma_start3A_824 = tpu.memref_slice %arg4[%add3A_820] : memref<57344xf32, #tpu.memory_space<hbm>> -> memref<128xf32, #tpu.memory_space<hbm>>
      %dma_start3A_825 = arith.constant 1128 : i32
      %dma_start3A_826 = tpu.memref_slice %arg7[%dma_start3A_825] : memref<2000xf32, #tpu.memory_space<vmem>> -> memref<128xf32, #tpu.memory_space<vmem>>
      tpu.enqueue_dma source(%dma_start3A_826 : memref<128xf32, #tpu.memory_space<vmem>>) target(%dma_start3A_824 : memref<128xf32, #tpu.memory_space<hbm>>) target_semaphore(%arg10 : memref<!tpu.dma_semaphore, #tpu.memory_space<semaphore_mem>>)
      %add3A_827 = arith.constant 2048 : i32
      %add3A_828 = arith.addi %add3A_810, %add3A_827 : i32
      %dma_start3A_829 = arith.constant 1256 : i32
      %dma_start3A_830 = tpu.memref_slice %arg7[%dma_start3A_829] : memref<2000xf32, #tpu.memory_space<vmem>> -> memref<128xf32, #tpu.memory_space<vmem>>
      %dma_start3A_831 = tpu.memref_slice %arg4[%add3A_828] : memref<57344xf32, #tpu.memory_space<hbm>> -> memref<128xf32, #tpu.memory_space<hbm>>
      %dma_start3A_832 = tpu.memref_slice %arg4[%add3A_828] : memref<57344xf32, #tpu.memory_space<hbm>> -> memref<128xf32, #tpu.memory_space<hbm>>
      %dma_start3A_833 = arith.constant 1256 : i32
      %dma_start3A_834 = tpu.memref_slice %arg7[%dma_start3A_833] : memref<2000xf32, #tpu.memory_space<vmem>> -> memref<128xf32, #tpu.memory_space<vmem>>
      tpu.enqueue_dma source(%dma_start3A_834 : memref<128xf32, #tpu.memory_space<vmem>>) target(%dma_start3A_832 : memref<128xf32, #tpu.memory_space<hbm>>) target_semaphore(%arg10 : memref<!tpu.dma_semaphore, #tpu.memory_space<semaphore_mem>>)
      %add3A_835 = arith.constant 3072 : i32
      %add3A_836 = arith.addi %add3A_810, %add3A_835 : i32
      %dma_start3A_837 = arith.constant 1384 : i32
      %dma_start3A_838 = tpu.memref_slice %arg7[%dma_start3A_837] : memref<2000xf32, #tpu.memory_space<vmem>> -> memref<128xf32, #tpu.memory_space<vmem>>
      %dma_start3A_839 = tpu.memref_slice %arg4[%add3A_836] : memref<57344xf32, #tpu.memory_space<hbm>> -> memref<128xf32, #tpu.memory_space<hbm>>
      %dma_start3A_840 = tpu.memref_slice %arg4[%add3A_836] : memref<57344xf32, #tpu.memory_space<hbm>> -> memref<128xf32, #tpu.memory_space<hbm>>
      %dma_start3A_841 = arith.constant 1384 : i32
      %dma_start3A_842 = tpu.memref_slice %arg7[%dma_start3A_841] : memref<2000xf32, #tpu.memory_space<vmem>> -> memref<128xf32, #tpu.memory_space<vmem>>
      tpu.enqueue_dma source(%dma_start3A_842 : memref<128xf32, #tpu.memory_space<vmem>>) target(%dma_start3A_840 : memref<128xf32, #tpu.memory_space<hbm>>) target_semaphore(%arg10 : memref<!tpu.dma_semaphore, #tpu.memory_space<semaphore_mem>>)
      %add3A_843 = arith.constant 4096 : i32
      %add3A_844 = arith.addi %add3A_810, %add3A_843 : i32
      %dma_start3A_845 = arith.constant 1512 : i32
      %dma_start3A_846 = tpu.memref_slice %arg7[%dma_start3A_845] : memref<2000xf32, #tpu.memory_space<vmem>> -> memref<128xf32, #tpu.memory_space<vmem>>
      %dma_start3A_847 = tpu.memref_slice %arg4[%add3A_844] : memref<57344xf32, #tpu.memory_space<hbm>> -> memref<128xf32, #tpu.memory_space<hbm>>
      %dma_start3A_848 = tpu.memref_slice %arg4[%add3A_844] : memref<57344xf32, #tpu.memory_space<hbm>> -> memref<128xf32, #tpu.memory_space<hbm>>
      %dma_start3A_849 = arith.constant 1512 : i32
      %dma_start3A_850 = tpu.memref_slice %arg7[%dma_start3A_849] : memref<2000xf32, #tpu.memory_space<vmem>> -> memref<128xf32, #tpu.memory_space<vmem>>
      tpu.enqueue_dma source(%dma_start3A_850 : memref<128xf32, #tpu.memory_space<vmem>>) target(%dma_start3A_848 : memref<128xf32, #tpu.memory_space<hbm>>) target_semaphore(%arg10 : memref<!tpu.dma_semaphore, #tpu.memory_space<semaphore_mem>>)
      %add3A_851 = arith.constant 5120 : i32
      %add3A_852 = arith.addi %add3A_810, %add3A_851 : i32
      %dma_start3A_853 = arith.constant 1640 : i32
      %dma_start3A_854 = tpu.memref_slice %arg7[%dma_start3A_853] : memref<2000xf32, #tpu.memory_space<vmem>> -> memref<128xf32, #tpu.memory_space<vmem>>
      %dma_start3A_855 = tpu.memref_slice %arg4[%add3A_852] : memref<57344xf32, #tpu.memory_space<hbm>> -> memref<128xf32, #tpu.memory_space<hbm>>
      %dma_start3A_856 = tpu.memref_slice %arg4[%add3A_852] : memref<57344xf32, #tpu.memory_space<hbm>> -> memref<128xf32, #tpu.memory_space<hbm>>
      %dma_start3A_857 = arith.constant 1640 : i32
      %dma_start3A_858 = tpu.memref_slice %arg7[%dma_start3A_857] : memref<2000xf32, #tpu.memory_space<vmem>> -> memref<128xf32, #tpu.memory_space<vmem>>
      tpu.enqueue_dma source(%dma_start3A_858 : memref<128xf32, #tpu.memory_space<vmem>>) target(%dma_start3A_856 : memref<128xf32, #tpu.memory_space<hbm>>) target_semaphore(%arg10 : memref<!tpu.dma_semaphore, #tpu.memory_space<semaphore_mem>>)
      %add3A_859 = arith.constant 6144 : i32
      %add3A_860 = arith.addi %add3A_810, %add3A_859 : i32
      %dma_start3A_861 = arith.constant 1768 : i32
      %dma_start3A_862 = tpu.memref_slice %arg7[%dma_start3A_861] : memref<2000xf32, #tpu.memory_space<vmem>> -> memref<128xf32, #tpu.memory_space<vmem>>
      %dma_start3A_863 = tpu.memref_slice %arg4[%add3A_860] : memref<57344xf32, #tpu.memory_space<hbm>> -> memref<128xf32, #tpu.memory_space<hbm>>
      %dma_start3A_864 = tpu.memref_slice %arg4[%add3A_860] : memref<57344xf32, #tpu.memory_space<hbm>> -> memref<128xf32, #tpu.memory_space<hbm>>
      %dma_start3A_865 = arith.constant 1768 : i32
      %dma_start3A_866 = tpu.memref_slice %arg7[%dma_start3A_865] : memref<2000xf32, #tpu.memory_space<vmem>> -> memref<128xf32, #tpu.memory_space<vmem>>
      tpu.enqueue_dma source(%dma_start3A_866 : memref<128xf32, #tpu.memory_space<vmem>>) target(%dma_start3A_864 : memref<128xf32, #tpu.memory_space<hbm>>) target_semaphore(%arg10 : memref<!tpu.dma_semaphore, #tpu.memory_space<semaphore_mem>>)
      %add3A_867 = arith.constant 7168 : i32
      %add3A_868 = arith.addi %add3A_810, %add3A_867 : i32
      %dma_start3A_869 = arith.constant 1896 : i32
      %dma_start3A_870 = tpu.memref_slice %arg7[%dma_start3A_869] : memref<2000xf32, #tpu.memory_space<vmem>> -> memref<104xf32, #tpu.memory_space<vmem>>
      %dma_start3A_871 = tpu.memref_slice %arg4[%add3A_868] : memref<57344xf32, #tpu.memory_space<hbm>> -> memref<104xf32, #tpu.memory_space<hbm>>
      %dma_start3A_872 = tpu.memref_slice %arg4[%add3A_868] : memref<57344xf32, #tpu.memory_space<hbm>> -> memref<104xf32, #tpu.memory_space<hbm>>
      %dma_start3A_873 = arith.constant 1896 : i32
      %dma_start3A_874 = tpu.memref_slice %arg7[%dma_start3A_873] : memref<2000xf32, #tpu.memory_space<vmem>> -> memref<104xf32, #tpu.memory_space<vmem>>
      tpu.enqueue_dma source(%dma_start3A_874 : memref<104xf32, #tpu.memory_space<vmem>>) target(%dma_start3A_872 : memref<104xf32, #tpu.memory_space<hbm>>) target_semaphore(%arg10 : memref<!tpu.dma_semaphore, #tpu.memory_space<semaphore_mem>>)
      %dma_wait3A_875 = arith.constant 1000 : i32
      %dma_wait3A_876 = tpu.memref_slice %arg7[%dma_wait3A_875] : memref<2000xf32, #tpu.memory_space<vmem>> -> memref<128xf32, #tpu.memory_space<vmem>>
      %dma_wait3A_877 = tpu.memref_slice %arg4[%add3A_812] : memref<57344xf32, #tpu.memory_space<hbm>> -> memref<128xf32, #tpu.memory_space<hbm>>
      %dma_wait3A_878 = tpu.memref_slice %arg4[%add3A_812] : memref<57344xf32, #tpu.memory_space<hbm>> -> memref<128xf32, #tpu.memory_space<hbm>>
      %dma_wait3A_879 = arith.constant 1000 : i32
      %dma_wait3A_880 = tpu.memref_slice %arg7[%dma_wait3A_879] : memref<2000xf32, #tpu.memory_space<vmem>> -> memref<128xf32, #tpu.memory_space<vmem>>
      tpu.wait_dma2 semaphore(%arg10 : memref<!tpu.dma_semaphore, #tpu.memory_space<semaphore_mem>>) src(%dma_wait3A_880 : memref<128xf32, #tpu.memory_space<vmem>>) dst(%dma_wait3A_878 : memref<128xf32, #tpu.memory_space<hbm>>)
      %dma_wait3A_881 = arith.constant 1128 : i32
      %dma_wait3A_882 = tpu.memref_slice %arg7[%dma_wait3A_881] : memref<2000xf32, #tpu.memory_space<vmem>> -> memref<128xf32, #tpu.memory_space<vmem>>
      %dma_wait3A_883 = tpu.memref_slice %arg4[%add3A_820] : memref<57344xf32, #tpu.memory_space<hbm>> -> memref<128xf32, #tpu.memory_space<hbm>>
      %dma_wait3A_884 = tpu.memref_slice %arg4[%add3A_820] : memref<57344xf32, #tpu.memory_space<hbm>> -> memref<128xf32, #tpu.memory_space<hbm>>
      %dma_wait3A_885 = arith.constant 1128 : i32
      %dma_wait3A_886 = tpu.memref_slice %arg7[%dma_wait3A_885] : memref<2000xf32, #tpu.memory_space<vmem>> -> memref<128xf32, #tpu.memory_space<vmem>>
      tpu.wait_dma2 semaphore(%arg10 : memref<!tpu.dma_semaphore, #tpu.memory_space<semaphore_mem>>) src(%dma_wait3A_886 : memref<128xf32, #tpu.memory_space<vmem>>) dst(%dma_wait3A_884 : memref<128xf32, #tpu.memory_space<hbm>>)
      %dma_wait3A_887 = arith.constant 1256 : i32
      %dma_wait3A_888 = tpu.memref_slice %arg7[%dma_wait3A_887] : memref<2000xf32, #tpu.memory_space<vmem>> -> memref<128xf32, #tpu.memory_space<vmem>>
      %dma_wait3A_889 = tpu.memref_slice %arg4[%add3A_828] : memref<57344xf32, #tpu.memory_space<hbm>> -> memref<128xf32, #tpu.memory_space<hbm>>
      %dma_wait3A_890 = tpu.memref_slice %arg4[%add3A_828] : memref<57344xf32, #tpu.memory_space<hbm>> -> memref<128xf32, #tpu.memory_space<hbm>>
      %dma_wait3A_891 = arith.constant 1256 : i32
      %dma_wait3A_892 = tpu.memref_slice %arg7[%dma_wait3A_891] : memref<2000xf32, #tpu.memory_space<vmem>> -> memref<128xf32, #tpu.memory_space<vmem>>
      tpu.wait_dma2 semaphore(%arg10 : memref<!tpu.dma_semaphore, #tpu.memory_space<semaphore_mem>>) src(%dma_wait3A_892 : memref<128xf32, #tpu.memory_space<vmem>>) dst(%dma_wait3A_890 : memref<128xf32, #tpu.memory_space<hbm>>)
      %dma_wait3A_893 = arith.constant 1384 : i32
      %dma_wait3A_894 = tpu.memref_slice %arg7[%dma_wait3A_893] : memref<2000xf32, #tpu.memory_space<vmem>> -> memref<128xf32, #tpu.memory_space<vmem>>
      %dma_wait3A_895 = tpu.memref_slice %arg4[%add3A_836] : memref<57344xf32, #tpu.memory_space<hbm>> -> memref<128xf32, #tpu.memory_space<hbm>>
      %dma_wait3A_896 = tpu.memref_slice %arg4[%add3A_836] : memref<57344xf32, #tpu.memory_space<hbm>> -> memref<128xf32, #tpu.memory_space<hbm>>
      %dma_wait3A_897 = arith.constant 1384 : i32
      %dma_wait3A_898 = tpu.memref_slice %arg7[%dma_wait3A_897] : memref<2000xf32, #tpu.memory_space<vmem>> -> memref<128xf32, #tpu.memory_space<vmem>>
      tpu.wait_dma2 semaphore(%arg10 : memref<!tpu.dma_semaphore, #tpu.memory_space<semaphore_mem>>) src(%dma_wait3A_898 : memref<128xf32, #tpu.memory_space<vmem>>) dst(%dma_wait3A_896 : memref<128xf32, #tpu.memory_space<hbm>>)
      %dma_wait3A_899 = arith.constant 1512 : i32
      %dma_wait3A_900 = tpu.memref_slice %arg7[%dma_wait3A_899] : memref<2000xf32, #tpu.memory_space<vmem>> -> memref<128xf32, #tpu.memory_space<vmem>>
      %dma_wait3A_901 = tpu.memref_slice %arg4[%add3A_844] : memref<57344xf32, #tpu.memory_space<hbm>> -> memref<128xf32, #tpu.memory_space<hbm>>
      %dma_wait3A_902 = tpu.memref_slice %arg4[%add3A_844] : memref<57344xf32, #tpu.memory_space<hbm>> -> memref<128xf32, #tpu.memory_space<hbm>>
      %dma_wait3A_903 = arith.constant 1512 : i32
      %dma_wait3A_904 = tpu.memref_slice %arg7[%dma_wait3A_903] : memref<2000xf32, #tpu.memory_space<vmem>> -> memref<128xf32, #tpu.memory_space<vmem>>
      tpu.wait_dma2 semaphore(%arg10 : memref<!tpu.dma_semaphore, #tpu.memory_space<semaphore_mem>>) src(%dma_wait3A_904 : memref<128xf32, #tpu.memory_space<vmem>>) dst(%dma_wait3A_902 : memref<128xf32, #tpu.memory_space<hbm>>)
      %dma_wait3A_905 = arith.constant 1640 : i32
      %dma_wait3A_906 = tpu.memref_slice %arg7[%dma_wait3A_905] : memref<2000xf32, #tpu.memory_space<vmem>> -> memref<128xf32, #tpu.memory_space<vmem>>
      %dma_wait3A_907 = tpu.memref_slice %arg4[%add3A_852] : memref<57344xf32, #tpu.memory_space<hbm>> -> memref<128xf32, #tpu.memory_space<hbm>>
      %dma_wait3A_908 = tpu.memref_slice %arg4[%add3A_852] : memref<57344xf32, #tpu.memory_space<hbm>> -> memref<128xf32, #tpu.memory_space<hbm>>
      %dma_wait3A_909 = arith.constant 1640 : i32
      %dma_wait3A_910 = tpu.memref_slice %arg7[%dma_wait3A_909] : memref<2000xf32, #tpu.memory_space<vmem>> -> memref<128xf32, #tpu.memory_space<vmem>>
      tpu.wait_dma2 semaphore(%arg10 : memref<!tpu.dma_semaphore, #tpu.memory_space<semaphore_mem>>) src(%dma_wait3A_910 : memref<128xf32, #tpu.memory_space<vmem>>) dst(%dma_wait3A_908 : memref<128xf32, #tpu.memory_space<hbm>>)
      %dma_wait3A_911 = arith.constant 1768 : i32
      %dma_wait3A_912 = tpu.memref_slice %arg7[%dma_wait3A_911] : memref<2000xf32, #tpu.memory_space<vmem>> -> memref<128xf32, #tpu.memory_space<vmem>>
      %dma_wait3A_913 = tpu.memref_slice %arg4[%add3A_860] : memref<57344xf32, #tpu.memory_space<hbm>> -> memref<128xf32, #tpu.memory_space<hbm>>
      %dma_wait3A_914 = tpu.memref_slice %arg4[%add3A_860] : memref<57344xf32, #tpu.memory_space<hbm>> -> memref<128xf32, #tpu.memory_space<hbm>>
      %dma_wait3A_915 = arith.constant 1768 : i32
      %dma_wait3A_916 = tpu.memref_slice %arg7[%dma_wait3A_915] : memref<2000xf32, #tpu.memory_space<vmem>> -> memref<128xf32, #tpu.memory_space<vmem>>
      tpu.wait_dma2 semaphore(%arg10 : memref<!tpu.dma_semaphore, #tpu.memory_space<semaphore_mem>>) src(%dma_wait3A_916 : memref<128xf32, #tpu.memory_space<vmem>>) dst(%dma_wait3A_914 : memref<128xf32, #tpu.memory_space<hbm>>)
      %dma_wait3A_917 = arith.constant 1896 : i32
      %dma_wait3A_918 = tpu.memref_slice %arg7[%dma_wait3A_917] : memref<2000xf32, #tpu.memory_space<vmem>> -> memref<104xf32, #tpu.memory_space<vmem>>
      %dma_wait3A_919 = tpu.memref_slice %arg4[%add3A_868] : memref<57344xf32, #tpu.memory_space<hbm>> -> memref<104xf32, #tpu.memory_space<hbm>>
      %dma_wait3A_920 = tpu.memref_slice %arg4[%add3A_868] : memref<57344xf32, #tpu.memory_space<hbm>> -> memref<104xf32, #tpu.memory_space<hbm>>
      %dma_wait3A_921 = arith.constant 1896 : i32
      %dma_wait3A_922 = tpu.memref_slice %arg7[%dma_wait3A_921] : memref<2000xf32, #tpu.memory_space<vmem>> -> memref<104xf32, #tpu.memory_space<vmem>>
      tpu.wait_dma2 semaphore(%arg10 : memref<!tpu.dma_semaphore, #tpu.memory_space<semaphore_mem>>) src(%dma_wait3A_922 : memref<104xf32, #tpu.memory_space<vmem>>) dst(%dma_wait3A_920 : memref<104xf32, #tpu.memory_space<hbm>>)
    } else {
    }
    %dma_wait3A_754 = arith.constant 0 : i32
    %dma_wait3A_755 = tpu.memref_slice %arg7[%dma_wait3A_754] : memref<2000xf32, #tpu.memory_space<vmem>> -> memref<128xf32, #tpu.memory_space<vmem>>
    %dma_wait3A_756 = tpu.memref_slice %arg4[%add3A_421] : memref<57344xf32, #tpu.memory_space<hbm>> -> memref<128xf32, #tpu.memory_space<hbm>>
    %dma_wait3A_757 = tpu.memref_slice %arg4[%add3A_421] : memref<57344xf32, #tpu.memory_space<hbm>> -> memref<128xf32, #tpu.memory_space<hbm>>
    %dma_wait3A_758 = arith.constant 0 : i32
    %dma_wait3A_759 = tpu.memref_slice %arg7[%dma_wait3A_758] : memref<2000xf32, #tpu.memory_space<vmem>> -> memref<128xf32, #tpu.memory_space<vmem>>
    tpu.wait_dma2 semaphore(%arg10 : memref<!tpu.dma_semaphore, #tpu.memory_space<semaphore_mem>>) src(%dma_wait3A_759 : memref<128xf32, #tpu.memory_space<vmem>>) dst(%dma_wait3A_757 : memref<128xf32, #tpu.memory_space<hbm>>)
    %dma_wait3A_760 = arith.constant 128 : i32
    %dma_wait3A_761 = tpu.memref_slice %arg7[%dma_wait3A_760] : memref<2000xf32, #tpu.memory_space<vmem>> -> memref<128xf32, #tpu.memory_space<vmem>>
    %dma_wait3A_762 = tpu.memref_slice %arg4[%add3A_429] : memref<57344xf32, #tpu.memory_space<hbm>> -> memref<128xf32, #tpu.memory_space<hbm>>
    %dma_wait3A_763 = tpu.memref_slice %arg4[%add3A_429] : memref<57344xf32, #tpu.memory_space<hbm>> -> memref<128xf32, #tpu.memory_space<hbm>>
    %dma_wait3A_764 = arith.constant 128 : i32
    %dma_wait3A_765 = tpu.memref_slice %arg7[%dma_wait3A_764] : memref<2000xf32, #tpu.memory_space<vmem>> -> memref<128xf32, #tpu.memory_space<vmem>>
    tpu.wait_dma2 semaphore(%arg10 : memref<!tpu.dma_semaphore, #tpu.memory_space<semaphore_mem>>) src(%dma_wait3A_765 : memref<128xf32, #tpu.memory_space<vmem>>) dst(%dma_wait3A_763 : memref<128xf32, #tpu.memory_space<hbm>>)
    %dma_wait3A_766 = arith.constant 256 : i32
    %dma_wait3A_767 = tpu.memref_slice %arg7[%dma_wait3A_766] : memref<2000xf32, #tpu.memory_space<vmem>> -> memref<128xf32, #tpu.memory_space<vmem>>
    %dma_wait3A_768 = tpu.memref_slice %arg4[%add3A_437] : memref<57344xf32, #tpu.memory_space<hbm>> -> memref<128xf32, #tpu.memory_space<hbm>>
    %dma_wait3A_769 = tpu.memref_slice %arg4[%add3A_437] : memref<57344xf32, #tpu.memory_space<hbm>> -> memref<128xf32, #tpu.memory_space<hbm>>
    %dma_wait3A_770 = arith.constant 256 : i32
    %dma_wait3A_771 = tpu.memref_slice %arg7[%dma_wait3A_770] : memref<2000xf32, #tpu.memory_space<vmem>> -> memref<128xf32, #tpu.memory_space<vmem>>
    tpu.wait_dma2 semaphore(%arg10 : memref<!tpu.dma_semaphore, #tpu.memory_space<semaphore_mem>>) src(%dma_wait3A_771 : memref<128xf32, #tpu.memory_space<vmem>>) dst(%dma_wait3A_769 : memref<128xf32, #tpu.memory_space<hbm>>)
    %dma_wait3A_772 = arith.constant 384 : i32
    %dma_wait3A_773 = tpu.memref_slice %arg7[%dma_wait3A_772] : memref<2000xf32, #tpu.memory_space<vmem>> -> memref<128xf32, #tpu.memory_space<vmem>>
    %dma_wait3A_774 = tpu.memref_slice %arg4[%add3A_445] : memref<57344xf32, #tpu.memory_space<hbm>> -> memref<128xf32, #tpu.memory_space<hbm>>
    %dma_wait3A_775 = tpu.memref_slice %arg4[%add3A_445] : memref<57344xf32, #tpu.memory_space<hbm>> -> memref<128xf32, #tpu.memory_space<hbm>>
    %dma_wait3A_776 = arith.constant 384 : i32
    %dma_wait3A_777 = tpu.memref_slice %arg7[%dma_wait3A_776] : memref<2000xf32, #tpu.memory_space<vmem>> -> memref<128xf32, #tpu.memory_space<vmem>>
    tpu.wait_dma2 semaphore(%arg10 : memref<!tpu.dma_semaphore, #tpu.memory_space<semaphore_mem>>) src(%dma_wait3A_777 : memref<128xf32, #tpu.memory_space<vmem>>) dst(%dma_wait3A_775 : memref<128xf32, #tpu.memory_space<hbm>>)
    %dma_wait3A_778 = arith.constant 512 : i32
    %dma_wait3A_779 = tpu.memref_slice %arg7[%dma_wait3A_778] : memref<2000xf32, #tpu.memory_space<vmem>> -> memref<128xf32, #tpu.memory_space<vmem>>
    %dma_wait3A_780 = tpu.memref_slice %arg4[%add3A_453] : memref<57344xf32, #tpu.memory_space<hbm>> -> memref<128xf32, #tpu.memory_space<hbm>>
    %dma_wait3A_781 = tpu.memref_slice %arg4[%add3A_453] : memref<57344xf32, #tpu.memory_space<hbm>> -> memref<128xf32, #tpu.memory_space<hbm>>
    %dma_wait3A_782 = arith.constant 512 : i32
    %dma_wait3A_783 = tpu.memref_slice %arg7[%dma_wait3A_782] : memref<2000xf32, #tpu.memory_space<vmem>> -> memref<128xf32, #tpu.memory_space<vmem>>
    tpu.wait_dma2 semaphore(%arg10 : memref<!tpu.dma_semaphore, #tpu.memory_space<semaphore_mem>>) src(%dma_wait3A_783 : memref<128xf32, #tpu.memory_space<vmem>>) dst(%dma_wait3A_781 : memref<128xf32, #tpu.memory_space<hbm>>)
    %dma_wait3A_784 = arith.constant 640 : i32
    %dma_wait3A_785 = tpu.memref_slice %arg7[%dma_wait3A_784] : memref<2000xf32, #tpu.memory_space<vmem>> -> memref<128xf32, #tpu.memory_space<vmem>>
    %dma_wait3A_786 = tpu.memref_slice %arg4[%add3A_461] : memref<57344xf32, #tpu.memory_space<hbm>> -> memref<128xf32, #tpu.memory_space<hbm>>
    %dma_wait3A_787 = tpu.memref_slice %arg4[%add3A_461] : memref<57344xf32, #tpu.memory_space<hbm>> -> memref<128xf32, #tpu.memory_space<hbm>>
    %dma_wait3A_788 = arith.constant 640 : i32
    %dma_wait3A_789 = tpu.memref_slice %arg7[%dma_wait3A_788] : memref<2000xf32, #tpu.memory_space<vmem>> -> memref<128xf32, #tpu.memory_space<vmem>>
    tpu.wait_dma2 semaphore(%arg10 : memref<!tpu.dma_semaphore, #tpu.memory_space<semaphore_mem>>) src(%dma_wait3A_789 : memref<128xf32, #tpu.memory_space<vmem>>) dst(%dma_wait3A_787 : memref<128xf32, #tpu.memory_space<hbm>>)
    %dma_wait3A_790 = arith.constant 768 : i32
    %dma_wait3A_791 = tpu.memref_slice %arg7[%dma_wait3A_790] : memref<2000xf32, #tpu.memory_space<vmem>> -> memref<128xf32, #tpu.memory_space<vmem>>
    %dma_wait3A_792 = tpu.memref_slice %arg4[%add3A_469] : memref<57344xf32, #tpu.memory_space<hbm>> -> memref<128xf32, #tpu.memory_space<hbm>>
    %dma_wait3A_793 = tpu.memref_slice %arg4[%add3A_469] : memref<57344xf32, #tpu.memory_space<hbm>> -> memref<128xf32, #tpu.memory_space<hbm>>
    %dma_wait3A_794 = arith.constant 768 : i32
    %dma_wait3A_795 = tpu.memref_slice %arg7[%dma_wait3A_794] : memref<2000xf32, #tpu.memory_space<vmem>> -> memref<128xf32, #tpu.memory_space<vmem>>
    tpu.wait_dma2 semaphore(%arg10 : memref<!tpu.dma_semaphore, #tpu.memory_space<semaphore_mem>>) src(%dma_wait3A_795 : memref<128xf32, #tpu.memory_space<vmem>>) dst(%dma_wait3A_793 : memref<128xf32, #tpu.memory_space<hbm>>)
    %dma_wait3A_796 = arith.constant 896 : i32
    %dma_wait3A_797 = tpu.memref_slice %arg7[%dma_wait3A_796] : memref<2000xf32, #tpu.memory_space<vmem>> -> memref<104xf32, #tpu.memory_space<vmem>>
    %dma_wait3A_798 = tpu.memref_slice %arg4[%add3A_477] : memref<57344xf32, #tpu.memory_space<hbm>> -> memref<104xf32, #tpu.memory_space<hbm>>
    %dma_wait3A_799 = tpu.memref_slice %arg4[%add3A_477] : memref<57344xf32, #tpu.memory_space<hbm>> -> memref<104xf32, #tpu.memory_space<hbm>>
    %dma_wait3A_800 = arith.constant 896 : i32
    %dma_wait3A_801 = tpu.memref_slice %arg7[%dma_wait3A_800] : memref<2000xf32, #tpu.memory_space<vmem>> -> memref<104xf32, #tpu.memory_space<vmem>>
    tpu.wait_dma2 semaphore(%arg10 : memref<!tpu.dma_semaphore, #tpu.memory_space<semaphore_mem>>) src(%dma_wait3A_801 : memref<104xf32, #tpu.memory_space<vmem>>) dst(%dma_wait3A_799 : memref<104xf32, #tpu.memory_space<hbm>>)
    return
  }
}

</mosaic_0001>

<sc_bundles>
// kernel: kernel.3.cloned.1.call-start
scs
__scs_entry_jumppad:
0x0: {  	(pc) =	sbr.rel $0x88, $3  }
0x1: {  	(tag) =	ssettag $0x0;
	lr =	simm.s32 $0x1  }
0x2: {  	[smem:$0x3F9F] =	sst lr;
	_ =	strace $0xD0000000  }
0x3: {  	_ = 	snop  }
0x4: {  	_ = 	snop  }
0x5: {  	_ = 	snop  }
0x6: {  	_ = 	snop  }
0x7: {  	_ = 	snop  }
__scs_overlays_trampoline_lowered:
0x8: {  	[smem:$0x3FAE] =	sst s0  }
0x9: {  	[smem:$0x3FAF] =	sst s1  }
0xa: {  	[smem:$0x3FB0] =	sst s2  }
0xb: {  	[smem:$0x3FB1] =	sst s3  }
0xc: {  	[smem:$0x3FB2] =	sst s4  }
0xd: {  	[smem:$0x3FB3] =	sst s5  }
0xe: {  	[smem:$0x3FB4] =	sst s6  }
0xf: {  	[smem:$0x3FB5] =	sst s7  }
0x10: {  	[smem:$0x3FB6] =	sst s8  }
0x11: {  	[smem:$0x3FB7] =	sst s9;
	s0 =	simm.s32 @!p0 $0x0  }
0x12: {  	s1 =	sld [smem:$0x3F9D];
	s0 =	simm.s32 @p0 $0x1  }
0x13: {  	[smem:$0x3FB8] =	sst s0;
	s0 =	simm.s32 @!p1 $0x0  }
0x14: {  	s2 =	sld [smem:$0x3F9C];
	s0 =	simm.s32 @p1 $0x1  }
0x15: {  	[smem:$0x3FB9] =	sst s0;
	s0 =	simm.s32 @!p2 $0x0  }
0x16: {  	s3 =	sld [smem:$0x3FDB];
	s0 =	simm.s32 @p2 $0x1  }
0x17: {  	s4 =	simm.s32 $0x1BF5;
	[smem:$0x3FBB] =	sst s0  }
0x18: {  	s0 =	sld [smem:$0x3F9E];
	_ =	swait.ge [sflag:s4], $0x0  }
0x19: {  	s7 =	sld [smem:$0x3F9F]  }
0x1a: {  	s8 =	sadd.s32 $0xFFFFE003, lr  }
0x1b: {  	s9 =	sadd.s32 $0xFFFFFEF7, lr;
	s5 =	simm.s32 $0xFFFFFFFF;
	p2 =	slt.u32 s8, $0xFFFFF086  }
0x1c: {  	p1 =	slt.u32 s9, $0xF7A;
	s5 =	simm.s32 @!p2 $0x0  }
0x1d: {  	s5 =	simm.s32 @p1 $0x1;
	p0 =	seq.s32 s7, s2  }
0x1e: {  	s7 =	smul.u32 @!p0 $0xF7A, s2;
	p2 =	seq.s32 @!p0 s5, $0x0  }
0x1f: {  	s9 =	smul.u32 $0xF7A, s1;
	s8 =	simm.s32 @!p0 $0x1BF5;
	p2 =	por !p2, p0  }
0x20: {  	[sflag:s8] =	ssyncset.s32 @!p0 $0xFFFFF086;
	s6 =	sadd.s32 @!p0 s3, s7;
	s7 =	simm.s32 @!p0 $0x108  }
0x21: {  	s3 =	sadd.s32 s3, s9;
	s6 =	sadd.s32 @!p0 $0x88, s6;
	s7 =	simm.s32 @p2 $0x1082  }
0x22: {  	[simem:s7], [sflag:s8] =	dma.local @!p0 [hbm:s6], $0xF7A  }
0x23: {  	s9 =	sor.u32 $0xD0000000, s2;
	s6 =	simm.s32 $0x108;
	_ =	swait.ge @!p0 [sflag:s8], $0x0  }
0x24: {  	s3 =	sadd.s32 $0x88, s3;
	s6 =	simm.s32 @!p1 $0x1082;
	[sflag:s4] =	ssyncset.s32 $0xFFFFF086  }
0x25: {  	[simem:s6], [sflag:s4] =	dma.local [hbm:s3], $0xF7A  }
0x26: {  	[smem:$0x3F9F] =	sst s1;
	(tag) =	ssettag s2;
	_ =	strace s9  }
0x27: {  	s1 =	sld [smem:$0x3FAF]  }
0x28: {  	s2 =	sld [smem:$0x3FB0]  }
0x29: {  	s4 =	sld [smem:$0x3FB2]  }
0x2a: {  	p0 =	seq.s32 s5, $0x0;
	s5 =	sld [smem:$0x3FB3]  }
0x2b: {  	s6 =	sld [smem:$0x3FB4]  }
0x2c: {  	s7 =	sld [smem:$0x3FB5]  }
0x2d: {  	s3 =	simm.s32 $0x108;
	s8 =	sld [smem:$0x3FB6]  }
0x2e: {  	s3 =	simm.s32 @!p0 $0x1082;
	s9 =	sld [smem:$0x3FB7]  }
0x2f: {  	lr =	sadd.s32 s0, s3;
	s0 =	sld [smem:$0x3FAE]  }
0x30: {  	s3 =	sld [smem:$0x3FB1]  }
0x31: {  	[smem:$0x3FBA] =	sst s10  }
0x32: {  	s10 =	sld [smem:$0x3FB8];
	_ =	sdelay $0x3  }
0x33: {  	p0 =	seq.s32 s10, $0x1;
	s10 =	sld [smem:$0x3FBA];
	_ =	sdelay $0x3  }
0x34: {  	[smem:$0x3FBA] =	sst s10  }
0x35: {  	s10 =	sld [smem:$0x3FB9];
	_ =	sdelay $0x3  }
0x36: {  	p1 =	seq.s32 s10, $0x1;
	s10 =	sld [smem:$0x3FBA];
	_ =	sdelay $0x3  }
0x37: {  	[smem:$0x3FBA] =	sst s10  }
0x38: {  	s10 =	sld [smem:$0x3FBB]  }
0x39: {  	_ = 	snop;
	(pc) =	sbr.ind lr, $3  }
0x3a: {  	_ = 	snop  }
0x3b: {  	_ = 	snop  }
0x3c: {  	p2 =	seq.s32 s10, $0x1;
	s10 =	sld [smem:$0x3FBA]  }
0x3d: {  	_ =	shalt  }
0x3e: {  	_ =	shalt  }
0x3f: {  	_ =	shalt  }
0x40: {  	_ =	shalt  }
0x41: {  	_ =	shalt  }
0x42: {  	_ =	shalt  }
0x43: {  	_ =	shalt  }
0x44: {  	_ =	shalt  }
0x45: {  	_ =	shalt  }
0x46: {  	_ =	shalt  }
0x47: {  	_ =	shalt  }
0x48: {  	_ =	shalt  }
0x49: {  	_ =	shalt  }
0x4a: {  	_ =	shalt  }
0x4b: {  	_ =	shalt  }
0x4c: {  	_ =	shalt  }
0x4d: {  	_ =	shalt  }
0x4e: {  	_ =	shalt  }
0x4f: {  	_ =	shalt  }
0x50: {  	_ =	shalt  }
0x51: {  	_ =	shalt  }
0x52: {  	_ =	shalt  }
0x53: {  	_ =	shalt  }
0x54: {  	_ =	shalt  }
0x55: {  	_ =	shalt  }
0x56: {  	_ =	shalt  }
0x57: {  	_ =	shalt  }
0x58: {  	_ =	shalt  }
0x59: {  	_ =	shalt  }
0x5a: {  	_ =	shalt  }
0x5b: {  	_ =	shalt  }
0x5c: {  	_ =	shalt  }
0x5d: {  	_ =	shalt  }
0x5e: {  	_ =	shalt  }
0x5f: {  	_ =	shalt  }
0x60: {  	_ =	shalt  }
0x61: {  	_ =	shalt  }
0x62: {  	_ =	shalt  }
0x63: {  	_ =	shalt  }
0x64: {  	_ =	shalt  }
0x65: {  	_ =	shalt  }
0x66: {  	_ =	shalt  }
0x67: {  	_ =	shalt  }
0x68: {  	_ =	shalt  }
0x69: {  	_ =	shalt  }
0x6a: {  	_ =	shalt  }
0x6b: {  	_ =	shalt  }
0x6c: {  	_ =	shalt  }
0x6d: {  	_ =	shalt  }
0x6e: {  	_ =	shalt  }
0x6f: {  	_ =	shalt  }
0x70: {  	_ =	shalt  }
0x71: {  	_ =	shalt  }
0x72: {  	_ =	shalt  }
0x73: {  	_ =	shalt  }
0x74: {  	_ =	shalt  }
0x75: {  	_ =	shalt  }
0x76: {  	_ =	shalt  }
0x77: {  	_ =	shalt  }
0x78: {  	_ =	shalt  }
0x79: {  	_ =	shalt  }
0x7a: {  	_ =	shalt  }
0x7b: {  	_ =	shalt  }
0x7c: {  	_ =	shalt  }
0x7d: {  	_ =	shalt  }
0x7e: {  	_ =	shalt  }
0x7f: {  	_ =	shalt  }
0x80: {  	_ =	shalt  }
0x81: {  	_ =	shalt  }
0x82: {  	_ =	shalt  }
0x83: {  	_ =	shalt  }
0x84: {  	_ =	shalt  }
0x85: {  	_ =	shalt  }
0x86: {  	_ =	shalt  }
0x87: {  	_ =	shalt  }
.Lfunc_end0:
.L_simem_size_0:
called_computation_lowered:
.L_overlay_start_0:
0x88: {  	s2 =	sld [smem:$0x3FD9]  }
0x89: {  	s3 =	sld [smem:$0x3FFE];
	_ =	sdelay $0x1  }
0x8a: {  	s1 =	srdreg.scid  }
0x8b: {  	s0 =	sand.u32 $0x1, s1  }
0x8c: {  	s17 =	sshll.u32 s0, $0xA;
	s2 =	sadd.s32 s3, s2  }
0x8d: {  	s2 =	sadd.s32 s2, s17  }
0x8e: {  	[smem:$0x3FC6] =	sst s2  }
0x8f: {  	_ = 	snop  }
0x90: {  	s2 =	sld [smem:$0x3FC9]  }
0x91: {  	s18 =	sld [smem:$0x3FD0];
	(tm) =	ssettm $0x1  }
0x92: {  	s4 =	sld [smem:$0x3FFB];
	_ =	sdelay $0x3  }
0x93: {  	_ =	strace s4  }
0x94: {  	s4 =	sld [smem:$0x3FFC];
	_ =	sdelay $0x3  }
0x95: {  	_ =	strace s4  }
0x96: {  	s4 =	sld [smem:$0x3FFD];
	_ =	sdelay $0x3  }
0x97: {  	_ =	strace s4  }
0x98: {  	_ =	strace $0x8FFFFFFF  }
0x99: {  	s19 =	sld [smem:$0x3FDB];
	_ =	sdelay $0x1  }
0x9a: {  	s5 =	simm.s32 $_scs_section_size  }
0x9b: {  	s6 =	simm.s32 $_size__tile_overlayer_lowered;
	s7 =	simm.s32 $_tile_overlayer_lowered  }
0x9c: {  	s22 =	simm.s32 $0x1BFF;
	s21 =	sshll.u32 s7, $0x1;
	s4 =	sadd.s32 s5, s19  }
0x9d: {  	s8 =	simm.s32 $0x0;
	s20 =	sshll.u32 s6, $0x1;
	s6 =	sadd.s32 s21, s4  }
0x9e: {  	[timem:s8], [sflag:s22] =	dma.local [hbm:s6], s20  }
0x9f: {  	_ =	swait.ge [sflag:s22], s20  }
0xa0: {  	s5 =	ssub.s32 $0x0, s20;
	[sflag:s22] =	ssyncset.done $0x0  }
0xa1: {  	[sflag:s22] =	ssyncadd.s32 s5;
	_ =	sdelay $0x1  }
0xa2: {  	s23 =	simm.s32 $0x1B8B  }
0xa3: {  	_ =	swait.ge [sflag:s23], $0x1  }
0xa4: {  	[sflag:s23] =	ssyncset.done $0x0  }
0xa5: {  	s25 =	simm.s32 $0x1B8E;
	s24 =	sld [smem:$0x3FFE];
	[sflag:s23] =	ssyncadd.s32 $0xFFFFFFFF  }
0xa6: {  	s26 =	simm.s32 $execute0_lowered;
	[smem:$0x3FD2] =	sst s25  }
0xa7: {  	s6 =	sshll.u32 s26, $0x1;
	_ =	strace $0x80000046;
	[dreg:$0x1] =	wrdreg $0xFFFFFFFF  }
0xa8: {  	s28 =	simm.s32 $_size_execute0_lowered;
	s4 =	sadd.s32 s4, s6;
	[dreg:$0x0] =	wrdreg $0x0  }
0xa9: {  	s6 =	sshll.u32 s28, $0x1;
	[dreg:$0x2] =	wrdreg s4  }
0xaa: {  	[dreg:$0x3] =	wrdreg s6  }
0xab: {  	[dreg:$0x4] =	wrdreg $0xC0  }
0xac: {  	_ =	task [dreg:s8], $0x5FFFF  }
0xad: {  	[dreg:$0x1] =	wrdreg $0xFFFFFFFF  }
0xae: {  	[dreg:$0x0] =	wrdreg $0x60  }
0xaf: {  	[dreg:$0x2] =	wrdreg s2  }
0xb0: {  	[dreg:$0x3] =	wrdreg s24  }
0xb1: {  	[dreg:$0x4] =	wrdreg s18  }
0xb2: {  	[dreg:$0x5] =	wrdreg $0x9  }
0xb3: {  	_ =	task.clear_ibuf [dreg:s8], $0x6FFFF;
	_ =	strace $0x90000046  }
0xb4: {  	s29 =	simm.s32 $0x9;
	_ =	strace $0x80000048  }
0xb5: {  	_ =	swait.ge [sflag:s29], $0x1  }
0xb6: {  	[sflag:s29] =	ssyncadd.s32 $0xFFFFFFFF  }
0xb7: {  	_ =	strace $0x90000048  }
0xb8: {  	_ =	sfence  }
0xb9: {  	s30 =	sld [smem:$0x0];
	_ =	sdelay $0x2  }
0xba: {  	s31 =	sshll.u32 s1, $0xD;
	s1 =	sshrl.u32 s1, $0x2  }
0xbb: {  	s3 =	sand.u32 $0x4000, s31;
	s1 =	sadd.s32 s1, s30  }
0xbc: {  	s0 =	sor.u32 s3, s0;
	s1 =	sshll.u32 s1, $0x11  }
0xbd: {  	s0 =	sor.u32 s1, s0  }
0xbe: {  	s0 =	sadd.s32 $0x8F2B, s0  }
0xbf: {  	[sflag:s0] =	ssyncadd.remote.s32 $0x1  }
0xc0: {  	_ =	sfence.sel $0xFFFF  }
0xc1: {  	[dreg:$0x0] =	wrdreg $0xFFFFFFFF;
	(pc) =	sbr.abs _section_cstart, $3  }
0xc2: {  	[dreg:$0x1] =	wrdreg $0xFFFFFFFF  }
0xc3: {  	_ =	task.clear_ibuf [dreg:s8], $0x2FFFF;
	_ =	strace $0x9FFFFFFF  }
0xc4: {  	(tm) =	ssettm $0x7FFFFFFF  }
0xc5: {  	_ =	shalt  }
tec
execute0_lowered:
.L_overlay_start_1:
0x0: {  	(tag) =	ssettag $0x1  }
0x1: {  	v0 =	vimm.s32 $0x2380  }
0x2: {  	s1 =	rddreg [dreg:$0x0];
	vm0 =	vcmask $0x300;
	vm1 =	vcmask $0x704;
	v1 =	vimm.s32 $0xF8380  }
0x3: {  	s0 =	rddreg [dreg:$0x1];
	vm2 =	vcmask $0xB08;
	v3 =	vimm.s32 $0xEFCDAB89;
	v4 =	vimm.s32 $0x67452301  }
0x4: {  	s2 =	rddreg [dreg:$0x2];
	v6 =	vimm.s32 $0xDCFE98BA;
	v7 =	vimm.s32 $0x54761032;
	v9 =	vimm.s32 $0x32107654  }
0x5: {  	s3 =	simm.s32 $0x0;
	s4 =	srdreg.scid;
	s24 =	stileid.u32;
	v10 =	vimm.s32 $0xFEDCBA98;
	v11 =	vimm.s32 $0x76543210;
	v0 =	vsel vm0, $0x0, v0  }
0x6: {  	s29 =	simm.s32 $0x980;
	s31 =	simm.s32 $0xA00;
	s28 =	simm.s32 $0xB00;
	v1 =	vsel vm0, $0xF6000, v1;
	vm0 =	vcmask $0xF0C;
	v3 =	vunpack.c.l.s4.s8 v3  }
0x7: {  	s30 =	simm.s32 $0xC00;
	[smem:$0x7FF] =	sst s3;
	s4 =	sand.u32 $0x1, s4;
	v4 =	vunpack.c.l.s4.s8 v4;
	v6 =	vunpack.c.l.s4.s8 v6;
	v7 =	vunpack.c.l.s4.s8 v7  }
0x8: {  	s5 =	sshll.u32 s24, $0x1;
	s0 =	sadd.s32 $0x400, s0;
	p0 =	slt.u32 s24, $0x9;
	v9 =	vunpack.c.l.s4.s8 v9;
	v10 =	vunpack.c.l.s4.s8 v10;
	v11 =	vunpack.c.l.s4.s8 v11  }
0x9: {  	s9 =	sshll.u32 s24, $0x8;
	s14 =	sadd.s32 $0x80, s2;
	s15 =	sadd.s32 $0x100, s2;
	v0 =	vsel vm1, $0x80, v0;
	v1 =	vsel vm1, $0xF6080, v1;
	vm1 =	vcmask $0x1310  }
0xa: {  	s16 =	sadd.s32 $0x180, s2;
	s17 =	sadd.s32 $0x200, s2;
	s18 =	sadd.s32 $0x280, s2;
	v0 =	vsel vm2, $0x100, v0;
	v1 =	vsel vm2, $0xF6100, v1;
	vm2 =	vcmask $0x1714  }
0xb: {  	s19 =	sadd.s32 $0x300, s2;
	s20 =	sadd.s32 $0x380, s2;
	_ =	strace $0x80000047;
	v8 =	vunpack.c.0.s8.s32 v3;
	v3 =	vimm.s32 $0xBA98FEDC;
	v4 =	vunpack.c.0.s8.s32 v4  }
0xc: {  	s6 =	ssub.s32 $0x2, s4;
	s4 =	sor.u32 s4, s5;
	[dreg:$0x4] =	wrdreg s0;
	v6 =	vunpack.c.0.s8.s32 v6;
	v7 =	vunpack.c.0.s8.s32 v7;
	v9 =	vunpack.c.0.s8.s32 v9  }
0xd: {  	s11 =	sshrl.u32 s6, $0x1;
	s7 =	sor.u32 $0x20, s4;
	s10 =	sshll.u32 s4, $0x4;
	v10 =	vunpack.c.0.s8.s32 v10;
	v0 =	vsel vm0, $0x180, v0;
	v1 =	vsel vm0, $0xF6180, v1  }
0xe: {  	s8 =	smov.u32 s4;
	s0 =	smul.u32 $0xFA000, s4;
	s9 =	sor.u32 s9, s10;
	vm0 =	vcmask $0x1B18;
	v3 =	vunpack.c.l.s4.s8 v3;
	v0 =	vsel vm1, $0x200, v0  }
0xf: {  	s8 =	smov.u32 @p0 s7;
	s5 =	ssub.s32 s6, s11;
	s12 =	sand.u32 $0xC70, s9;
	v1 =	vsel vm1, $0xF6200, v1;
	vm1 =	vcmask $0x1F1C;
	v4 =	vcombine.low v4, v8  }
0x10: {  	s7 =	sshll.u32 s7, $0x7;
	p0 =	sgt.u32 s24, $0x8;
	v8 =	vunpack.c.0.s8.s32 v11;
	v0 =	vsel vm2, $0x280, v0;
	s13 =	sadd.s32 s2, s12;
	v1 =	vsel vm2, $0xF6280, v1  }
0x11: {  	s24 =	simm.s32 $0x880;
	s11 =	sadd.s32 s12, s14;
	vm2 =	vcmask $0x2320;
	[dreg:$0x5] =	wrdreg s13;
	v0 =	vsel vm0, $0x300, v0;
	v1 =	vsel vm0, $0xF6300, v1  }
0x12: {  	s6 =	simm.s32 $0x3;
	s21 =	sadd.s32 s12, s15;
	v12 =	vunpack.c.0.s8.s32 v3;
	[dreg:$0x6] =	wrdreg s11;
	v0 =	vsel vm1, $0x380, v0;
	v1 =	vsel vm1, $0xF6380, v1  }
0x13: {  	s4 =	smul.u32 $0xFA000, s8;
	s22 =	sadd.s32 s12, s16;
	[dreg:$0x7] =	wrdreg s21;
	vm0 =	vcmask $0x2724;
	v0 =	vsel vm2, $0x2000, v0;
	v1 =	vsel vm2, $0xF8000, v1  }
0x14: {  	s7 =	sor.u32 s10, s7;
	s23 =	sadd.s32 s12, s17;
	[dreg:$0x8] =	wrdreg s22;
	vm1 =	vcmask $0x2B28;
	v0 =	vsel vm0, $0x2080, v0;
	v1 =	vsel vm0, $0xF8080, v1  }
0x15: {  	s25 =	sadd.s32 s12, s18;
	s26 =	sand.u32 $0x1C70, s7;
	[dreg:$0x9] =	wrdreg s23;
	vm2 =	vcmask $0x2F2C;
	v0 =	vsel vm1, $0x2100, v0;
	v1 =	vsel vm1, $0xF8100, v1  }
0x16: {  	s7 =	simm.s32 $0x0;
	[dreg:$0xa] =	wrdreg s25;
	s11 =	sadd.s32 s12, s19;
	vm0 =	vcmask $0x3330;
	v0 =	vsel vm2, $0x2180, v0;
	v1 =	vsel vm2, $0xF8180, v1  }
0x17: {  	s12 =	sadd.s32 s12, s20;
	s13 =	sadd.s32 s2, s26;
	s14 =	sadd.s32 s26, s14;
	vm1 =	vcmask $0x3734;
	v0 =	vsel vm0, $0x2200, v0;
	v1 =	vsel vm0, $0xF8200, v1  }
0x18: {  	s15 =	sadd.s32 s26, s15;
	s16 =	sadd.s32 s26, s16;
	s17 =	sadd.s32 s26, s17;
	vm2 =	vcmask $0x3B38;
	v0 =	vsel vm1, $0x2280, v0;
	v1 =	vsel vm1, $0xF8280, v1  }
0x19: {  	s18 =	sadd.s32 s26, s18;
	s19 =	sadd.s32 s26, s19;
	s20 =	sadd.s32 s26, s20;
	vm0 =	vmmov $0xff;
	v2 =	vsel vm2, $0x2300, v0;
	v5 =	vsel vm2, $0xF8300, v1  }
0x1a: {  	s21 =	smax.u32 s5, $0x1;
	s22 =	simm.s32 $0x4;
	s23 =	simm.s32 $0x80;
	v0 =	vadd.s32 s0, v2;
	v1 =	vadd.s32 s0, v5;
	v2 =	vadd.s32 s4, v2  }
0x1b: {  	s26 =	simm.s32 $0x900;
	s2 =	simm.s32 $0xA80;
	s25 =	simm.s32 $0x68;
	v3 =	vadd.s32 s4, v5;
	v5 =	vcombine.low v7, v6;
	v7 =	vand.u32 $0xF, v10  }
0x1c: {  	s5 =	simm.s32 $0x2;
	s0 =	simm.s32 $0xB80;
	v6 =	vcombine.low v9, v12;
	s4 =	simm.s32 $0x1;
	v7 =	vcombine.low v7, v8;
	v8 =	vimm.s32 $0xFFFFFF82  }
.LBB2_1:
0x1d: {  	s8 =	rddreg [dreg:$0x4]  }
0x1e: {  	[tilespmem:s3], [sflag:$0x4] =	stream.linear.gather [hbm4b:s8+s3], $0x80, $0x38;
	[tilespmem:$0x1080] =	vst v63  }
0x1f: {  	_ =	swait.ge [sflag:s22], $0x80  }
0x20: {  	[sflag:s22] =	ssyncset.done $0x0  }
0x21: {  	[sflag:s22] =	ssyncadd.s32 $0xFFFFFF80  }
0x22: {  	v9 =	vld [tilespmem:$0x0];
	_ =	sdelay $0x4  }
0x23: {  	v10 =	vshll.u32 v9, $0x3  }
0x24: {  	v9 =	vand.u32 $0x7F, v9;
	v10 =	vand.u32 $0xFFFFFC00, v10  }
0x25: {  	v9 =	vor.u32 v9, v10  }
0x26: {  	s8 =	simm.s32 $0x90;
	v10 =	vadd.s32 v0, v9  }
0x27: {  	s9 =	simm.s32 $0x0;
	[tilespmem:s8+$0xFFFFFFF0] =	vst v10;
	v11 =	vadd.s32 $0x4000, v10  }
.LBB2_2:
0x28: {  	s9 =	sadd.s32 $0x2, s9  }
0x29: {  	[tilespmem:s8+$0x0] =	vst v11;
	v10 =	vadd.s32 $0x8000, v10;
	s8 =	sadd.s32 $0x20, s8;
	p1 =	slt.u32 s9, $0x3C  }
.Ltmp0:
0x2a: {  	[tilespmem:s8+$0xFFFFFFF0] =	vst v10;
	(pc) =	sbr.rel @p1 .LBB2_2-.Ltmp0, $2  }
0x2b: {  	_ =	sdelay $0x2  }
0x2c: {  	v11 =	vadd.s32 $0x4000, v10  }
0x2d: {  	[tilespmem:s8+$0x0] =	vst v11;
	v10 =	vadd.s32 v1, v9  }
0x2e: {  	[tilespmem:$0x458] =	vst v10  }
0x2f: {  	[tilespmem:s24], [sflag:$0x1] =	stream.indirect.gather [hbm4b:s1+s23], $0x1, s23, s23, $0xb8;
	[tilespmem:$0x1080] =	vst v63  }
0x30: {  	s10 =	simm.s32 $0x100  }
0x31: {  	[tilespmem:s26], [sflag:$0x1] =	stream.indirect.gather [hbm4b:s1+s23], $0x1, s10, s23, $0xb8;
	[tilespmem:$0x1080] =	vst v63  }
0x32: {  	s9 =	simm.s32 $0x180  }
0x33: {  	[tilespmem:s29], [sflag:$0x1] =	stream.indirect.gather [hbm4b:s1+s23], $0x1, s9, s23, $0xb8;
	[tilespmem:$0x1080] =	vst v63  }
0x34: {  	s10 =	simm.s32 $0x200  }
0x35: {  	[tilespmem:s31], [sflag:$0x1] =	stream.indirect.gather [hbm4b:s1+s23], $0x1, s10, s23, $0xb8;
	[tilespmem:$0x1080] =	vst v63  }
0x36: {  	s9 =	simm.s32 $0x280  }
0x37: {  	[tilespmem:s2], [sflag:$0x1] =	stream.indirect.gather [hbm4b:s1+s23], $0x1, s9, s23, $0xb8;
	[tilespmem:$0x1080] =	vst v63  }
0x38: {  	s10 =	simm.s32 $0x300  }
0x39: {  	[tilespmem:s28], [sflag:$0x1] =	stream.indirect.gather [hbm4b:s1+s23], $0x1, s10, s23, $0xb8;
	[tilespmem:$0x1080] =	vst v63  }
0x3a: {  	s9 =	simm.s32 $0x380  }
0x3b: {  	[tilespmem:s0], [sflag:$0x1] =	stream.indirect.gather [hbm4b:s1+s23], $0x1, s9, s23, $0xb8;
	[tilespmem:$0x1080] =	vst v63  }
0x3c: {  	s8 =	simm.s32 $0x478;
	s10 =	simm.s32 $0x400  }
0x3d: {  	v10 =	vadd.s32 v2, v9;
	[tilespmem:s30], [sflag:$0x1] =	stream.indirect.gather [hbm4b:s1+s25], $0x1, s10, s25, $0xb8;
	[tilespmem:$0x1080] =	vst v63  }
0x3e: {  	v11 =	vadd.s32 $0x4000, v10;
	s9 =	simm.s32 $0x0;
	[tilespmem:s8+$0xFFFFFFF0] =	vst v10  }
.LBB2_4:
0x3f: {  	s9 =	sadd.s32 $0x2, s9  }
0x40: {  	[tilespmem:s8+$0x0] =	vst v11;
	v10 =	vadd.s32 $0x8000, v10;
	s8 =	sadd.s32 $0x20, s8;
	p1 =	slt.u32 s9, $0x3C  }
.Ltmp1:
0x41: {  	[tilespmem:s8+$0xFFFFFFF0] =	vst v10;
	(pc) =	sbr.rel @p1 .LBB2_4-.Ltmp1, $2  }
0x42: {  	_ =	sdelay $0x2  }
0x43: {  	v11 =	vadd.s32 $0x4000, v10  }
0x44: {  	[tilespmem:s8+$0x0] =	vst v11;
	v9 =	vadd.s32 v3, v9  }
0x45: {  	s10 =	simm.s32 $0x468;
	s9 =	simm.s32 $0xC68;
	[tilespmem:$0x840] =	vst v9  }
0x46: {  	[tilespmem:s9], [sflag:$0x2] =	stream.indirect.gather [hbm4b:s1+s23], $0x1, s10, s23, $0xb8;
	[tilespmem:$0x1080] =	vst v63  }
0x47: {  	s9 =	simm.s32 $0x4E8;
	s10 =	simm.s32 $0xCE8  }
0x48: {  	[tilespmem:s10], [sflag:$0x2] =	stream.indirect.gather [hbm4b:s1+s23], $0x1, s9, s23, $0xb8;
	[tilespmem:$0x1080] =	vst v63  }
0x49: {  	s9 =	simm.s32 $0x568;
	s10 =	simm.s32 $0xD68  }
0x4a: {  	[tilespmem:s10], [sflag:$0x2] =	stream.indirect.gather [hbm4b:s1+s23], $0x1, s9, s23, $0xb8;
	[tilespmem:$0x1080] =	vst v63  }
0x4b: {  	s9 =	simm.s32 $0x5E8;
	s10 =	simm.s32 $0xDE8  }
0x4c: {  	[tilespmem:s10], [sflag:$0x2] =	stream.indirect.gather [hbm4b:s1+s23], $0x1, s9, s23, $0xb8;
	[tilespmem:$0x1080] =	vst v63  }
0x4d: {  	s9 =	simm.s32 $0x668;
	s10 =	simm.s32 $0xE68  }
0x4e: {  	[tilespmem:s10], [sflag:$0x2] =	stream.indirect.gather [hbm4b:s1+s23], $0x1, s9, s23, $0xb8;
	[tilespmem:$0x1080] =	vst v63  }
0x4f: {  	s9 =	simm.s32 $0x6E8;
	s10 =	simm.s32 $0xEE8  }
0x50: {  	[tilespmem:s10], [sflag:$0x2] =	stream.indirect.gather [hbm4b:s1+s23], $0x1, s9, s23, $0xb8;
	[tilespmem:$0x1080] =	vst v63  }
0x51: {  	s9 =	simm.s32 $0x768;
	s10 =	simm.s32 $0xF68  }
0x52: {  	[tilespmem:s10], [sflag:$0x2] =	stream.indirect.gather [hbm4b:s1+s23], $0x1, s9, s23, $0xb8;
	[tilespmem:$0x1080] =	vst v63  }
0x53: {  	s9 =	simm.s32 $0x7E8;
	s10 =	simm.s32 $0xFE8  }
0x54: {  	[tilespmem:s10], [sflag:$0x2] =	stream.indirect.gather [hbm4b:s1+s25], $0x1, s9, s25, $0xb8;
	[tilespmem:$0x1080] =	vst v63  }
0x55: {  	_ =	swait.ge [sflag:s4], $0x80  }
0x56: {  	[sflag:s4] =	ssyncset.done $0x0  }
0x57: {  	[sflag:s4] =	ssyncadd.s32 $0xFFFFFF80  }
0x58: {  	_ =	swait.ge [sflag:s4], $0x80  }
0x59: {  	[sflag:s4] =	ssyncset.done $0x0  }
0x5a: {  	[sflag:s4] =	ssyncadd.s32 $0xFFFFFF80  }
0x5b: {  	_ =	swait.ge [sflag:s4], $0x80  }
0x5c: {  	[sflag:s4] =	ssyncset.done $0x0  }
0x5d: {  	[sflag:s4] =	ssyncadd.s32 $0xFFFFFF80  }
0x5e: {  	_ =	swait.ge [sflag:s4], $0x80  }
0x5f: {  	[sflag:s4] =	ssyncset.done $0x0  }
0x60: {  	[sflag:s4] =	ssyncadd.s32 $0xFFFFFF80  }
0x61: {  	_ =	swait.ge [sflag:s4], $0x80  }
0x62: {  	[sflag:s4] =	ssyncset.done $0x0  }
0x63: {  	[sflag:s4] =	ssyncadd.s32 $0xFFFFFF80  }
0x64: {  	_ =	swait.ge [sflag:s4], $0x80  }
0x65: {  	[sflag:s4] =	ssyncset.done $0x0  }
0x66: {  	[sflag:s4] =	ssyncadd.s32 $0xFFFFFF80  }
0x67: {  	_ =	swait.ge [sflag:s4], $0x80  }
0x68: {  	[sflag:s4] =	ssyncset.done $0x0  }
0x69: {  	[sflag:s4] =	ssyncadd.s32 $0xFFFFFF80  }
0x6a: {  	_ =	swait.ge [sflag:s4], $0x68  }
0x6b: {  	[sflag:s4] =	ssyncset.done $0x0  }
0x6c: {  	s9 =	simm.s32 $0x8A0;
	[sflag:s4] =	ssyncadd.s32 $0xFFFFFF98  }
0x6d: {  	v9 =	vld [tilespmem:s9+$0xFFFFFFE0];
	_ =	sdelay $0x1  }
0x6e: {  	v10 =	vld [tilespmem:s9+$0xFFFFFFF0];
	_ =	sdelay $0x1  }
0x6f: {  	v11 =	vld [tilespmem:s9+$0x0]  }
0x70: {  	v9 =	vmul.f32 $1.442695020e+00, v9  }
0x71: {  	s10 =	simm.s32 $0x8E0;
	v12 =	vld [tilespmem:s9+$0x10]  }
0x72: {  	v13 =	vld [tilespmem:s10+$0xFFFFFFE0];
	v10 =	vmul.f32 $1.442695020e+00, v10;
	(erf) = vpow2.f32 v9;
	_ =	sdelay $0x1  }
0x73: {  	v9 =	vmul.f32 $1.442695020e+00, v11;
	(erf) = vpow2.f32 v10  }
0x74: {  	v14 =	vld [tilespmem:s10+$0xFFFFFFF0]  }
0x75: {  	v11 =	vmul.f32 $1.442695020e+00, v12;
	(erf) = vpow2.f32 v9  }
0x76: {  	v13 =	vmul.f32 $1.442695020e+00, v13;
	v10 =	vld [tilespmem:s10+$0x0]  }
0x77: {  	(erf) = vpow2.f32 v11  }
0x78: {  	v9 =	vld [tilespmem:s10+$0x10];
	(erf) = vpow2.f32 v13  }
0x79: {  	s8 =	simm.s32 $0x4;
	s9 =	simm.s32 $0x920;
	v12 =	vmul.f32 $1.442695020e+00, v14;
	v11 =	vimm.f32 $0.0e+00  }
.LBB2_6:
0x7a: {  	v13 =	vld [tilespmem:s9+$0xFFFFFFE0];
	s8 =	sadd.s32 $0x4, s8;
	v14 =	vpop (erf)  }
0x7b: {  	p1 =	slt.u32 s8, $0x38;
	v10 =	vmul.f32 $1.442695020e+00, v10;
	(erf) = vpow2.f32 v12;
	v11 =	vadd.f32 v14, v11  }
0x7c: {  	v12 =	vld [tilespmem:s9+$0xFFFFFFF0];
	v14 =	vpop (erf)  }
.Ltmp2:
0x7d: {  	v9 =	vmul.f32 $1.442695020e+00, v9;
	(erf) = vpow2.f32 v10;
	v11 =	vadd.f32 v14, v11;
	(pc) =	sbr.rel @p1 .LBB2_6-.Ltmp2, $4  }
0x7e: {  	v10 =	vld [tilespmem:s9+$0x0];
	v14 =	vpop (erf)  }
0x7f: {  	v13 =	vmul.f32 $1.442695020e+00, v13;
	(erf) = vpow2.f32 v9;
	v11 =	vadd.f32 v14, v11  }
0x80: {  	v9 =	vld [tilespmem:s9+$0x10];
	v14 =	vpop (erf)  }
0x81: {  	s9 =	sadd.s32 $0x40, s9;
	v12 =	vmul.f32 $1.442695020e+00, v12;
	(erf) = vpow2.f32 v13;
	v11 =	vadd.f32 v14, v11  }
0x82: {  	v13 =	vpop (erf);
	v14 =	vld [tilespmem:$0xC40]  }
0x83: {  	v10 =	vmul.f32 $1.442695020e+00, v10;
	v11 =	vadd.f32 v13, v11  }
0x84: {  	(erf) = vpow2.f32 v12;
	v13 =	vld [tilespmem:$0xC50];
	v12 =	vpop (erf)  }
0x85: {  	v9 =	vmul.f32 $1.442695020e+00, v9;
	(erf) = vpow2.f32 v10;
	v10 =	vadd.f32 v12, v11  }
0x86: {  	v11 =	vld [tilespmem:$0xC58];
	v12 =	vpop (erf)  }
0x87: {  	(erf) = vpow2.f32 v9;
	v9 =	vadd.f32 v12, v10;
	v10 =	vmul.f32 $1.442695020e+00, v14;
	_ =	sdelay $0x1  }
0x88: {  	v12 =	vpop (erf);
	(erf) = vpow2.f32 v10;
	v10 =	vmul.f32 $1.442695020e+00, v13  }
0x89: {  	v9 =	vadd.f32 v12, v9  }
0x8a: {  	v12 =	vpop (erf);
	v11 =	vmul.f32 $1.442695020e+00, v11  }
0x8b: {  	v9 =	vadd.f32 v12, v9;
	(erf) = vpow2.f32 v10  }
0x8c: {  	v10 =	vpop (erf);
	(erf) = vpow2.f32 v11  }
0x8d: {  	v9 =	vadd.f32 v10, v9  }
0x8e: {  	v10 =	vpop (erf)  }
0x8f: {  	v9 =	vadd.f32 v10, v9  }
0x90: {  	v10 =	vpop (erf)  }
0x91: {  	v9 =	vadd.f32 v10, v9  }
0x92: {  	v10 =	vpop (erf)  }
0x93: {  	v9 =	vadd.f32 v10, v9  }
0x94: {  	v10 =	vpop (erf)  }
0x95: {  	v9 =	vadd.f32 v10, v9;
	v10 =	vpop (erf)  }
0x96: {  	v10 =	vsel vm0, $0x0, v10  }
0x97: {  	v9 =	vadd.f32 v10, v9;
	_ =	sdelay $0x1  }
0x98: {  	v10 =	vperm.xlane v9, v4;
	_ =	sdelay $0x1  }
0x99: {  	v9 =	vadd.f32 v9, v10;
	_ =	sdelay $0x1  }
0x9a: {  	v10 =	vperm.xlane v9, v5;
	_ =	sdelay $0x1  }
0x9b: {  	v9 =	vadd.f32 v9, v10;
	_ =	sdelay $0x1  }
0x9c: {  	v10 =	vperm.xlane v9, v6;
	_ =	sdelay $0x1  }
0x9d: {  	v9 =	vadd.f32 v9, v10;
	_ =	sdelay $0x1  }
0x9e: {  	v10 =	vperm.xlane v9, v7;
	_ =	sdelay $0x1  }
0x9f: {  	v9 =	vadd.f32 v9, v10;
	_ =	sdelay $0x1  }
0xa0: {  	v10 =	vand.u32 $0x7FFFFF, v9  }
0xa1: {  	v10 =	vor.u32 $0x3F000000, v10  }
0xa2: {  	vm1 =	vlt.f32 v10, $7.071067690e-01  }
0xa3: {  	v11 =	vnsel vm1, $0x80000000, v10  }
0xa4: {  	v10 =	vadd.f32 v10, v11;
	_ =	sdelay $0x1  }
0xa5: {  	v10 =	vadd.f32 $-1.000000000e+00, v10;
	_ =	sdelay $0x1  }
0xa6: {  	v11 =	vmul.f32 $1.248395890e-01, v10;
	_ =	sdelay $0x1  }
0xa7: {  	v11 =	vadd.f32 $-1.803054060e-01, v11;
	_ =	sdelay $0x1  }
0xa8: {  	v11 =	vmul.f32 v11, v10;
	_ =	sdelay $0x1  }
0xa9: {  	v11 =	vadd.f32 $2.019990240e-01, v11;
	_ =	sdelay $0x1  }
0xaa: {  	v11 =	vmul.f32 v11, v10;
	_ =	sdelay $0x1  }
0xab: {  	v11 =	vadd.f32 $-2.497013360e-01, v11  }
0xac: {  	v9 =	vshra.s32 v9, $0x17  }
0xad: {  	v12 =	vsel vm1, $0xFFFFFF81, v8;
	v13 =	vmul.f32 v10, v10;
	v11 =	vmul.f32 v11, v10  }
0xae: {  	v9 =	vadd.s32 v9, v12  }
0xaf: {  	v9 =	vcvt.s32.f32 v9;
	v12 =	vmul.f32 v13, v10;
	v11 =	vadd.f32 $3.333148060e-01, v11;
	_ =	sdelay $0x1  }
0xb0: {  	v11 =	vmul.f32 v11, v12;
	v12 =	vmul.f32 $-2.121944420e-04, v9;
	_ =	sdelay $0x1  }
0xb1: {  	v11 =	vadd.f32 v12, v11;
	v12 =	vmul.f32 $-5.000000000e-01, v13;
	_ =	sdelay $0x1  }
0xb2: {  	s8 =	simm.s32 $0x8A0;
	v11 =	vadd.f32 v12, v11  }
0xb3: {  	v12 =	vld [tilespmem:s8+$0xFFFFFFE0]  }
0xb4: {  	v9 =	vmul.f32 $6.933593750e-01, v9;
	v10 =	vadd.f32 v11, v10;
	v11 =	vld [tilespmem:s8+$0x0]  }
0xb5: {  	v13 =	vld [tilespmem:s8+$0x10]  }
0xb6: {  	v9 =	vadd.f32 v10, v9;
	v10 =	vld [tilespmem:s8+$0xFFFFFFF0];
	_ =	sdelay $0x1  }
0xb7: {  	v12 =	vsub.f32 v12, v9  }
0xb8: {  	v11 =	vsub.f32 v11, v9  }
0xb9: {  	s9 =	simm.s32 $0x0;
	s10 =	simm.s32 $0x8E0;
	[tilespmem:s8+$0xFFFFFFE0] =	vst v12;
	v12 =	vsub.f32 v13, v9  }
.LBB2_8:
0xba: {  	v13 =	vld [tilespmem:s10+$0xFFFFFFE0];
	v10 =	vsub.f32 v10, v9;
	[tilespmem:s8+$0x0] =	vst v11  }
0xbb: {  	s9 =	sadd.s32 $0x4, s9;
	v11 =	vld [tilespmem:s10+$0x0];
	[tilespmem:s8+$0x10] =	vst v12  }
0xbc: {  	p1 =	slt.u32 s9, $0x38;
	v12 =	vld [tilespmem:s10+$0x10];
	[tilespmem:s8+$0xFFFFFFF0] =	vst v10;
	s8 =	smov.u32 s10  }
.Ltmp3:
0xbd: {  	v10 =	vld [tilespmem:s10+$0xFFFFFFF0];
	(pc) =	sbr.rel @p1 .LBB2_8-.Ltmp3, $4  }
0xbe: {  	_ = 	snop  }
0xbf: {  	v13 =	vsub.f32 v13, v9  }
0xc0: {  	v11 =	vsub.f32 v11, v9  }
0xc1: {  	s10 =	sadd.s32 $0x40, s10;
	[tilespmem:s8+$0xFFFFFFE0] =	vst v13;
	v12 =	vsub.f32 v12, v9  }
0xc2: {  	v10 =	vsub.f32 v10, v9;
	[tilespmem:s8+$0x0] =	vst v11  }
0xc3: {  	[tilespmem:s8+$0x10] =	vst v12  }
0xc4: {  	[tilespmem:s8+$0xFFFFFFF0] =	vst v10  }
0xc5: {  	v10 =	vld [tilespmem:$0xC50];
	_ =	sdelay $0x4  }
0xc6: {  	v10 =	vsub.f32 v10, v9;
	_ =	sdelay $0x1  }
0xc7: {  	v11 =	vld [tilespmem:$0xC40];
	[tilespmem:$0xC50] =	vst v10  }
0xc8: {  	v10 =	vld [tilespmem:$0xC58];
	_ =	sdelay $0x3  }
0xc9: {  	v11 =	vsub.f32 v11, v9;
	v9 =	vsel vm0, $0x0, v9  }
0xca: {  	v9 =	vsub.f32 v10, v9  }
0xcb: {  	[tilespmem:$0xC40] =	vst v11  }
0xcc: {  	s10 =	rddreg [dreg:$0x5];
	[tilespmem:$0xC58] =	vst v9  }
0xcd: {  	[hbm4b:s10+s3] =	stream.linear.scatter [tilespmem:s24], [sflag:$0x3], $0x80, $0x38;
	[tilespmem:$0x1080] =	vst v63  }
0xce: {  	s9 =	rddreg [dreg:$0x6]  }
0xcf: {  	[hbm4b:s9+s3] =	stream.linear.scatter [tilespmem:s26], [sflag:$0x3], $0x80, $0x38;
	[tilespmem:$0x1080] =	vst v63  }
0xd0: {  	s10 =	rddreg [dreg:$0x7]  }
0xd1: {  	[hbm4b:s10+s3] =	stream.linear.scatter [tilespmem:s29], [sflag:$0x3], $0x80, $0x38;
	[tilespmem:$0x1080] =	vst v63  }
0xd2: {  	s9 =	rddreg [dreg:$0x8]  }
0xd3: {  	[hbm4b:s9+s3] =	stream.linear.scatter [tilespmem:s31], [sflag:$0x3], $0x80, $0x38;
	[tilespmem:$0x1080] =	vst v63  }
0xd4: {  	s10 =	rddreg [dreg:$0x9]  }
0xd5: {  	[hbm4b:s10+s3] =	stream.linear.scatter [tilespmem:s2], [sflag:$0x3], $0x80, $0x38;
	[tilespmem:$0x1080] =	vst v63  }
0xd6: {  	s9 =	rddreg [dreg:$0xa]  }
0xd7: {  	[hbm4b:s9+s3] =	stream.linear.scatter [tilespmem:s28], [sflag:$0x3], $0x80, $0x38;
	[tilespmem:$0x1080] =	vst v63  }
0xd8: {  	_ = 	snop  }
0xd9: {  	[hbm4b:s11+s3] =	stream.linear.scatter [tilespmem:s0], [sflag:$0x3], $0x80, $0x38;
	[tilespmem:$0x1080] =	vst v63  }
0xda: {  	_ = 	snop  }
0xdb: {  	[hbm4b:s12+s3] =	stream.linear.scatter [tilespmem:s30], [sflag:$0x3], $0x68, $0x38;
	[tilespmem:$0x1080] =	vst v63  }
0xdc: {  	_ =	swait.ge [sflag:s5], $0x80  }
0xdd: {  	[sflag:s5] =	ssyncset.done $0x0  }
0xde: {  	[sflag:s5] =	ssyncadd.s32 $0xFFFFFF80  }
0xdf: {  	_ =	swait.ge [sflag:s5], $0x80  }
0xe0: {  	[sflag:s5] =	ssyncset.done $0x0  }
0xe1: {  	[sflag:s5] =	ssyncadd.s32 $0xFFFFFF80  }
0xe2: {  	_ =	swait.ge [sflag:s5], $0x80  }
0xe3: {  	[sflag:s5] =	ssyncset.done $0x0  }
0xe4: {  	[sflag:s5] =	ssyncadd.s32 $0xFFFFFF80  }
0xe5: {  	_ =	swait.ge [sflag:s5], $0x80  }
0xe6: {  	[sflag:s5] =	ssyncset.done $0x0  }
0xe7: {  	[sflag:s5] =	ssyncadd.s32 $0xFFFFFF80  }
0xe8: {  	_ =	swait.ge [sflag:s5], $0x80  }
0xe9: {  	[sflag:s5] =	ssyncset.done $0x0  }
0xea: {  	[sflag:s5] =	ssyncadd.s32 $0xFFFFFF80  }
0xeb: {  	_ =	swait.ge [sflag:s5], $0x80  }
0xec: {  	[sflag:s5] =	ssyncset.done $0x0  }
0xed: {  	[sflag:s5] =	ssyncadd.s32 $0xFFFFFF80  }
0xee: {  	_ =	swait.ge [sflag:s5], $0x80  }
0xef: {  	[sflag:s5] =	ssyncset.done $0x0  }
0xf0: {  	[sflag:s5] =	ssyncadd.s32 $0xFFFFFF80  }
0xf1: {  	_ =	swait.ge [sflag:s5], $0x68  }
0xf2: {  	[sflag:s5] =	ssyncset.done $0x0  }
0xf3: {  	s10 =	simm.s32 $0xC98;
	[sflag:s5] =	ssyncadd.s32 $0xFFFFFF98  }
0xf4: {  	v9 =	vld [tilespmem:s10+$0xFFFFFFD0];
	_ =	sdelay $0x1  }
0xf5: {  	v10 =	vld [tilespmem:s10+$0xFFFFFFE0];
	_ =	sdelay $0x1  }
0xf6: {  	v11 =	vld [tilespmem:s10+$0xFFFFFFF0]  }
0xf7: {  	v9 =	vmul.f32 $1.442695020e+00, v9  }
0xf8: {  	s9 =	simm.s32 $0xCD8;
	v12 =	vld [tilespmem:s10+$0x0]  }
0xf9: {  	v13 =	vld [tilespmem:s9+$0xFFFFFFD0];
	v10 =	vmul.f32 $1.442695020e+00, v10;
	(erf) = vpow2.f32 v9;
	_ =	sdelay $0x1  }
0xfa: {  	v9 =	vmul.f32 $1.442695020e+00, v11;
	(erf) = vpow2.f32 v10  }
0xfb: {  	v14 =	vld [tilespmem:s9+$0xFFFFFFE0]  }
0xfc: {  	v11 =	vmul.f32 $1.442695020e+00, v12;
	(erf) = vpow2.f32 v9  }
0xfd: {  	v13 =	vmul.f32 $1.442695020e+00, v13;
	v10 =	vld [tilespmem:s9+$0xFFFFFFF0]  }
0xfe: {  	(erf) = vpow2.f32 v11  }
0xff: {  	v9 =	vld [tilespmem:s9+$0x0];
	(erf) = vpow2.f32 v13  }
0x100: {  	s8 =	simm.s32 $0x4;
	v12 =	vmul.f32 $1.442695020e+00, v14;
	s9 =	simm.s32 $0xD18;
	v11 =	vimm.f32 $0.0e+00  }
.LBB2_10:
0x101: {  	v13 =	vld [tilespmem:s9+$0xFFFFFFD0];
	s8 =	sadd.s32 $0x4, s8;
	v14 =	vpop (erf)  }
0x102: {  	p1 =	slt.u32 s8, $0x38;
	v10 =	vmul.f32 $1.442695020e+00, v10;
	(erf) = vpow2.f32 v12;
	v11 =	vadd.f32 v14, v11  }
0x103: {  	v12 =	vld [tilespmem:s9+$0xFFFFFFE0];
	v14 =	vpop (erf)  }
.Ltmp4:
0x104: {  	v9 =	vmul.f32 $1.442695020e+00, v9;
	(erf) = vpow2.f32 v10;
	v11 =	vadd.f32 v14, v11;
	(pc) =	sbr.rel @p1 .LBB2_10-.Ltmp4, $4  }
0x105: {  	v10 =	vld [tilespmem:s9+$0xFFFFFFF0];
	v14 =	vpop (erf)  }
0x106: {  	v13 =	vmul.f32 $1.442695020e+00, v13;
	(erf) = vpow2.f32 v9;
	v11 =	vadd.f32 v14, v11  }
0x107: {  	v9 =	vld [tilespmem:s9+$0x0];
	v14 =	vpop (erf)  }
0x108: {  	s9 =	sadd.s32 $0x40, s9;
	v12 =	vmul.f32 $1.442695020e+00, v12;
	(erf) = vpow2.f32 v13;
	v11 =	vadd.f32 v14, v11  }
0x109: {  	v13 =	vpop (erf);
	v14 =	vld [tilespmem:$0x1028]  }
0x10a: {  	v10 =	vmul.f32 $1.442695020e+00, v10;
	v11 =	vadd.f32 v13, v11  }
0x10b: {  	(erf) = vpow2.f32 v12;
	v13 =	vld [tilespmem:$0x1038];
	v12 =	vpop (erf)  }
0x10c: {  	v9 =	vmul.f32 $1.442695020e+00, v9;
	(erf) = vpow2.f32 v10;
	v10 =	vadd.f32 v12, v11  }
0x10d: {  	v11 =	vld [tilespmem:$0x1040];
	v12 =	vpop (erf)  }
0x10e: {  	(erf) = vpow2.f32 v9;
	v9 =	vadd.f32 v12, v10;
	v10 =	vmul.f32 $1.442695020e+00, v14;
	_ =	sdelay $0x1  }
0x10f: {  	v12 =	vpop (erf);
	(erf) = vpow2.f32 v10;
	v10 =	vmul.f32 $1.442695020e+00, v13  }
0x110: {  	v9 =	vadd.f32 v12, v9  }
0x111: {  	v12 =	vpop (erf);
	v11 =	vmul.f32 $1.442695020e+00, v11  }
0x112: {  	v9 =	vadd.f32 v12, v9;
	(erf) = vpow2.f32 v10  }
0x113: {  	v10 =	vpop (erf);
	(erf) = vpow2.f32 v11  }
0x114: {  	v9 =	vadd.f32 v10, v9  }
0x115: {  	v10 =	vpop (erf)  }
0x116: {  	v9 =	vadd.f32 v10, v9  }
0x117: {  	v10 =	vpop (erf)  }
0x118: {  	v9 =	vadd.f32 v10, v9  }
0x119: {  	v10 =	vpop (erf)  }
0x11a: {  	v9 =	vadd.f32 v10, v9  }
0x11b: {  	v10 =	vpop (erf)  }
0x11c: {  	v9 =	vadd.f32 v10, v9;
	v10 =	vpop (erf)  }
0x11d: {  	v10 =	vsel vm0, $0x0, v10  }
0x11e: {  	v9 =	vadd.f32 v10, v9;
	_ =	sdelay $0x1  }
0x11f: {  	v10 =	vperm.xlane v9, v4;
	_ =	sdelay $0x1  }
0x120: {  	v9 =	vadd.f32 v9, v10;
	_ =	sdelay $0x1  }
0x121: {  	v10 =	vperm.xlane v9, v5;
	_ =	sdelay $0x1  }
0x122: {  	v9 =	vadd.f32 v9, v10;
	_ =	sdelay $0x1  }
0x123: {  	v10 =	vperm.xlane v9, v6;
	_ =	sdelay $0x1  }
0x124: {  	v9 =	vadd.f32 v9, v10;
	_ =	sdelay $0x1  }
0x125: {  	v10 =	vperm.xlane v9, v7;
	_ =	sdelay $0x1  }
0x126: {  	v9 =	vadd.f32 v9, v10;
	_ =	sdelay $0x1  }
0x127: {  	v10 =	vand.u32 $0x7FFFFF, v9  }
0x128: {  	v10 =	vor.u32 $0x3F000000, v10  }
0x129: {  	vm1 =	vlt.f32 v10, $7.071067690e-01  }
0x12a: {  	v11 =	vnsel vm1, $0x80000000, v10  }
0x12b: {  	v10 =	vadd.f32 v10, v11;
	_ =	sdelay $0x1  }
0x12c: {  	v10 =	vadd.f32 $-1.000000000e+00, v10;
	_ =	sdelay $0x1  }
0x12d: {  	v11 =	vmul.f32 $1.248395890e-01, v10;
	_ =	sdelay $0x1  }
0x12e: {  	v11 =	vadd.f32 $-1.803054060e-01, v11;
	_ =	sdelay $0x1  }
0x12f: {  	v11 =	vmul.f32 v11, v10;
	_ =	sdelay $0x1  }
0x130: {  	v11 =	vadd.f32 $2.019990240e-01, v11;
	_ =	sdelay $0x1  }
0x131: {  	v11 =	vmul.f32 v11, v10;
	_ =	sdelay $0x1  }
0x132: {  	v11 =	vadd.f32 $-2.497013360e-01, v11  }
0x133: {  	v9 =	vshra.s32 v9, $0x17  }
0x134: {  	v12 =	vsel vm1, $0xFFFFFF81, v8;
	v13 =	vmul.f32 v10, v10;
	v11 =	vmul.f32 v11, v10  }
0x135: {  	v9 =	vadd.s32 v9, v12  }
0x136: {  	v9 =	vcvt.s32.f32 v9;
	v12 =	vmul.f32 v13, v10;
	v11 =	vadd.f32 $3.333148060e-01, v11;
	_ =	sdelay $0x1  }
0x137: {  	v11 =	vmul.f32 v11, v12;
	v12 =	vmul.f32 $-2.121944420e-04, v9;
	_ =	sdelay $0x1  }
0x138: {  	v11 =	vadd.f32 v12, v11;
	v12 =	vmul.f32 $-5.000000000e-01, v13;
	_ =	sdelay $0x1  }
0x139: {  	s8 =	simm.s32 $0xC98;
	v11 =	vadd.f32 v12, v11  }
0x13a: {  	v12 =	vld [tilespmem:s8+$0xFFFFFFD0]  }
0x13b: {  	v9 =	vmul.f32 $6.933593750e-01, v9;
	v10 =	vadd.f32 v11, v10;
	v11 =	vld [tilespmem:s8+$0xFFFFFFE0]  }
0x13c: {  	v13 =	vld [tilespmem:s8+$0x0]  }
0x13d: {  	v9 =	vadd.f32 v10, v9;
	v10 =	vld [tilespmem:s8+$0xFFFFFFF0];
	_ =	sdelay $0x1  }
0x13e: {  	v14 =	vsub.f32 v12, v9  }
0x13f: {  	v12 =	vsub.f32 v11, v9  }
0x140: {  	s9 =	simm.s32 $0x0;
	s10 =	simm.s32 $0xCD8;
	v11 =	vsub.f32 v13, v9;
	[tilespmem:s8+$0xFFFFFFD0] =	vst v14  }
.LBB2_12:
0x141: {  	v13 =	vld [tilespmem:s10+$0xFFFFFFD0];
	[tilespmem:s8+$0xFFFFFFE0] =	vst v12;
	v10 =	vsub.f32 v10, v9  }
0x142: {  	s9 =	sadd.s32 $0x4, s9;
	v12 =	vld [tilespmem:s10+$0xFFFFFFE0];
	[tilespmem:s8+$0x0] =	vst v11  }
0x143: {  	p1 =	slt.u32 s9, $0x38;
	v11 =	vld [tilespmem:s10+$0x0];
	[tilespmem:s8+$0xFFFFFFF0] =	vst v10;
	s8 =	smov.u32 s10  }
.Ltmp5:
0x144: {  	v10 =	vld [tilespmem:s10+$0xFFFFFFF0];
	(pc) =	sbr.rel @p1 .LBB2_12-.Ltmp5, $4  }
0x145: {  	_ = 	snop  }
0x146: {  	v13 =	vsub.f32 v13, v9  }
0x147: {  	v12 =	vsub.f32 v12, v9  }
0x148: {  	s10 =	sadd.s32 $0x40, s10;
	[tilespmem:s8+$0xFFFFFFD0] =	vst v13;
	v11 =	vsub.f32 v11, v9  }
0x149: {  	[tilespmem:s8+$0xFFFFFFE0] =	vst v12;
	v10 =	vsub.f32 v10, v9  }
0x14a: {  	[tilespmem:s8+$0x0] =	vst v11  }
0x14b: {  	[tilespmem:s8+$0xFFFFFFF0] =	vst v10  }
0x14c: {  	v10 =	vld [tilespmem:$0x1038];
	_ =	sdelay $0x4  }
0x14d: {  	v10 =	vsub.f32 v10, v9;
	_ =	sdelay $0x1  }
0x14e: {  	v11 =	vld [tilespmem:$0x1028];
	[tilespmem:$0x1038] =	vst v10  }
0x14f: {  	v10 =	vld [tilespmem:$0x1040];
	_ =	sdelay $0x3  }
0x150: {  	v11 =	vsub.f32 v11, v9;
	v9 =	vsel vm0, $0x0, v9  }
0x151: {  	v9 =	vsub.f32 v10, v9  }
0x152: {  	[tilespmem:$0x1028] =	vst v11  }
0x153: {  	s9 =	simm.s32 @!p0 $0xC68;
	s8 =	simm.s32 @!p0 $0x0;
	[tilespmem:$0x1040] =	vst v9  }
0x154: {  	[hbm4b:s13+s8] =	stream.linear.scatter @!p0 [tilespmem:s9], [sflag:$0x3], $0x80, $0x38;
	[tilespmem:$0x1080] =	vst v63  }
0x155: {  	s9 =	simm.s32 @!p0 $0xCE8  }
0x156: {  	[hbm4b:s14+s8] =	stream.linear.scatter @!p0 [tilespmem:s9], [sflag:$0x3], $0x80, $0x38;
	[tilespmem:$0x1080] =	vst v63  }
0x157: {  	s9 =	simm.s32 @!p0 $0xD68  }
0x158: {  	[hbm4b:s15+s8] =	stream.linear.scatter @!p0 [tilespmem:s9], [sflag:$0x3], $0x80, $0x38;
	[tilespmem:$0x1080] =	vst v63  }
0x159: {  	s9 =	simm.s32 @!p0 $0xDE8  }
0x15a: {  	[hbm4b:s16+s8] =	stream.linear.scatter @!p0 [tilespmem:s9], [sflag:$0x3], $0x80, $0x38;
	[tilespmem:$0x1080] =	vst v63  }
0x15b: {  	s9 =	simm.s32 @!p0 $0xE68  }
0x15c: {  	[hbm4b:s17+s8] =	stream.linear.scatter @!p0 [tilespmem:s9], [sflag:$0x3], $0x80, $0x38;
	[tilespmem:$0x1080] =	vst v63  }
0x15d: {  	s9 =	simm.s32 @!p0 $0xEE8  }
0x15e: {  	[hbm4b:s18+s8] =	stream.linear.scatter @!p0 [tilespmem:s9], [sflag:$0x3], $0x80, $0x38;
	[tilespmem:$0x1080] =	vst v63  }
0x15f: {  	s9 =	simm.s32 @!p0 $0xF68  }
0x160: {  	[hbm4b:s19+s8] =	stream.linear.scatter @!p0 [tilespmem:s9], [sflag:$0x3], $0x80, $0x38;
	[tilespmem:$0x1080] =	vst v63  }
0x161: {  	s9 =	simm.s32 @!p0 $0xFE8  }
0x162: {  	[hbm4b:s20+s8] =	stream.linear.scatter @!p0 [tilespmem:s9], [sflag:$0x3], $0x68, $0x38;
	[tilespmem:$0x1080] =	vst v63  }
0x163: {  	s8 =	simm.s32 @!p0 $0x3  }
0x164: {  	_ =	swait.ge @!p0 [sflag:s8], $0x80  }
0x165: {  	[sflag:s8] =	ssyncset.done @!p0 $0x0  }
0x166: {  	[sflag:s8] =	ssyncadd.s32 @!p0 $0xFFFFFF80  }
0x167: {  	_ =	swait.ge @!p0 [sflag:s8], $0x80  }
0x168: {  	[sflag:s8] =	ssyncset.done @!p0 $0x0  }
0x169: {  	[sflag:s8] =	ssyncadd.s32 @!p0 $0xFFFFFF80  }
0x16a: {  	_ =	swait.ge @!p0 [sflag:s8], $0x80  }
0x16b: {  	[sflag:s8] =	ssyncset.done @!p0 $0x0  }
0x16c: {  	[sflag:s8] =	ssyncadd.s32 @!p0 $0xFFFFFF80  }
0x16d: {  	_ =	swait.ge @!p0 [sflag:s8], $0x80  }
0x16e: {  	[sflag:s8] =	ssyncset.done @!p0 $0x0  }
0x16f: {  	[sflag:s8] =	ssyncadd.s32 @!p0 $0xFFFFFF80  }
0x170: {  	_ =	swait.ge @!p0 [sflag:s8], $0x80  }
0x171: {  	[sflag:s8] =	ssyncset.done @!p0 $0x0  }
0x172: {  	[sflag:s8] =	ssyncadd.s32 @!p0 $0xFFFFFF80  }
0x173: {  	_ =	swait.ge @!p0 [sflag:s8], $0x80  }
0x174: {  	[sflag:s8] =	ssyncset.done @!p0 $0x0  }
0x175: {  	[sflag:s8] =	ssyncadd.s32 @!p0 $0xFFFFFF80  }
0x176: {  	_ =	swait.ge @!p0 [sflag:s8], $0x80  }
0x177: {  	[sflag:s8] =	ssyncset.done @!p0 $0x0  }
0x178: {  	[sflag:s8] =	ssyncadd.s32 @!p0 $0xFFFFFF80  }
0x179: {  	_ =	swait.ge @!p0 [sflag:s8], $0x68  }
0x17a: {  	[sflag:s8] =	ssyncset.done @!p0 $0x0  }
0x17b: {  	[sflag:s8] =	ssyncadd.s32 @!p0 $0xFFFFFF98  }
0x17c: {  	_ =	swait.ge [sflag:s6], $0x80  }
0x17d: {  	[sflag:s6] =	ssyncset.done $0x0  }
0x17e: {  	[sflag:s6] =	ssyncadd.s32 $0xFFFFFF80  }
0x17f: {  	_ =	swait.ge [sflag:s6], $0x80  }
0x180: {  	[sflag:s6] =	ssyncset.done $0x0  }
0x181: {  	[sflag:s6] =	ssyncadd.s32 $0xFFFFFF80  }
0x182: {  	_ =	swait.ge [sflag:s6], $0x80  }
0x183: {  	[sflag:s6] =	ssyncset.done $0x0  }
0x184: {  	[sflag:s6] =	ssyncadd.s32 $0xFFFFFF80  }
0x185: {  	_ =	swait.ge [sflag:s6], $0x80  }
0x186: {  	[sflag:s6] =	ssyncset.done $0x0  }
0x187: {  	[sflag:s6] =	ssyncadd.s32 $0xFFFFFF80  }
0x188: {  	_ =	swait.ge [sflag:s6], $0x80  }
0x189: {  	[sflag:s6] =	ssyncset.done $0x0  }
0x18a: {  	[sflag:s6] =	ssyncadd.s32 $0xFFFFFF80  }
0x18b: {  	_ =	swait.ge [sflag:s6], $0x80  }
0x18c: {  	[sflag:s6] =	ssyncset.done $0x0  }
0x18d: {  	s7 =	sadd.s32 $0x1, s7;
	[sflag:s6] =	ssyncadd.s32 $0xFFFFFF80  }
0x18e: {  	p1 =	sne.s32 s7, s21;
	_ =	swait.ge [sflag:s6], $0x80  }
.Ltmp6:
0x18f: {  	[sflag:s6] =	ssyncset.done $0x0;
	(pc) =	sbr.rel @p1 .LBB2_1-.Ltmp6, $4  }
0x190: {  	[sflag:s6] =	ssyncadd.s32 $0xFFFFFF80  }
0x191: {  	_ =	swait.ge [sflag:s6], $0x68  }
0x192: {  	[sflag:s6] =	ssyncset.done $0x0  }
0x193: {  	[sflag:s6] =	ssyncadd.s32 $0xFFFFFF98  }
0x194: {  	_ =	sfence.sel $0x180000  }
0x195: {  	[bflag:$0x0] =	sbarrier.arrive $0xFFFF  }
0x196: {  	_ =	strace $0x90000047  }
0x197: {  	s0 =	stileid.u32;
	[bflag:$0x2] =	sbarrier.arrive $0xFFFF  }
0x198: {  	p0 =	sne.s32 s0, $0x0;
	s0 =	rddreg [dreg:$0x3]  }
0x199: {  	s0 =	sadd.s32 @!p0 $0x100000, s0  }
0x19a: {  	[sflag:s0] =	ssyncadd.tile.s32 @!p0 $0x1;
	_ =	shalt  }
.Lfunc_end2:
_tile_overlayer_lowered:
.L_overlay_start_2:
0x19b: {  	(tag) =	ssettag $0x2  }
0x19c: {  	s0 =	rddreg [dreg:$0x0];
	s2 =	stileid.u32  }
0x19d: {  	s1 =	rddreg [dreg:$0x1];
	p0 =	sne.s32 s2, $0x0  }
0x19e: {  	s3 =	rddreg [dreg:$0x2];
	[bflag:$0x3] =	sbarrier.arrive $0xFFFF;
	s2 =	simm.s32 @!p0 $0x1C04  }
0x19f: {  	[timem:s3], [sflag:s2] =	dma.local @!p0 [hbm:s0], s1  }
0x1a0: {  	s0 =	simm.s32 @!p0 $0x4  }
0x1a1: {  	_ =	swait.ge @!p0 [sflag:s0], s1  }
0x1a2: {  	s1 =	ssub.s32 @!p0 $0x0, s1;
	[sflag:s0] =	ssyncset.done @!p0 $0x0  }
0x1a3: {  	[sflag:s0] =	ssyncadd.s32 @!p0 s1  }
0x1a4: {  	[bflag:$0x3] =	sbarrier.arrive $0xFFFF  }
0x1a5: {  	_ =	shalt  }

</sc_bundles>
